<compile_context>
chip_gen: v7x
topology: tpu7x:2x2x1
jax: 0.10.2.dev20260603
libtpu: 0.0.44.dev20260713+nightly
codegen_flags: <defaults>
</compile_context>

<pallas_src>
import functools

import jax
import jax.numpy as jnp
from jax import lax
from jax.experimental import pallas as pl
from jax.experimental.pallas import tpu as pltpu
from jax.experimental.pallas import tpu_sc as plsc

N_NODES = 10000
N_EDGES = 320000
HID = 128

NC = 2
NS = 16
NW = NC * NS
CHUNK = 80
LANES = 16
EDGES_PER_W = N_EDGES // NW
N_PAD = 10240
ROWS_PER_SUB = N_PAD // NS

NSLOT = 3
CHUNKS_PER_W = EDGES_PER_W // CHUNK + 1
EDGES_PER_W_X = CHUNKS_PER_W * CHUNK
PK_PAD = NW * EDGES_PER_W_X + 4 * CHUNK

BR = 2000
GRID = N_NODES // BR
GBR = 2048
GGRID = N_PAD // GBR


def _prep_body(x_ref, h_ref, wxt_ref, wht_ref, bm_ref, m_ref):
    m_ref[...] = (
        jnp.dot(x_ref[...], wxt_ref[...])
        + jnp.dot(h_ref[...], wht_ref[...])
        + bm_ref[...]
    )


def _prep(x, h, wxt, wht, bm):
    return pl.pallas_call(
        _prep_body,
        grid=(GRID,),
        in_specs=[
            pl.BlockSpec((BR, HID), lambda i: (i, 0)),
            pl.BlockSpec((BR, HID), lambda i: (i, 0)),
            pl.BlockSpec((HID, HID), lambda i: (0, 0)),
            pl.BlockSpec((HID, HID), lambda i: (0, 0)),
            pl.BlockSpec((1, HID), lambda i: (0, 0)),
        ],
        out_specs=pl.BlockSpec((BR, HID), lambda i: (i, 0)),
        out_shape=jax.ShapeDtypeStruct((N_NODES, HID), jnp.float32),
    )(x, h, wxt, wht, bm)


def _seg_body(m_hbm, pk_hbm, za_hbm, zc_hbm, sums_hbm, cnts_hbm,
              pks, idx_s, idx_d, rows, cnt, acc, semp, semg, sems):
    cid = lax.axis_index("c")
    sid = lax.axis_index("s")
    wid = cid * NS + sid

    pltpu.sync_copy(za_hbm, acc.at[pl.ds(sid * ROWS_PER_SUB, ROWS_PER_SUB)])
    pltpu.sync_copy(zc_hbm, cnt)
    plsc.subcore_barrier()

    base = wid * EDGES_PER_W_X
    ones = jnp.full((LANES,), 1.0, jnp.float32)

    def pk_start(j, b):
        off = pl.multiple_of(base + j * CHUNK, 8)
        pltpu.async_copy(pk_hbm.at[pl.ds(off, CHUNK)], pks[b], semp[b])

    def pk_wait(b):
        pltpu.make_async_copy(pk_hbm.at[pl.ds(0, CHUNK)], pks[b], semp[b]).wait()

    def unpack(b):
        for v in range(CHUNK // LANES):
            pk = pks[b][pl.ds(v * LANES, LANES)]
            dvec = lax.bitwise_and(pk, 16383)
            idx_s[b][pl.ds(v * LANES, LANES)] = lax.shift_right_logical(pk, 14)
            idx_d[b][pl.ds(v * LANES, LANES)] = dvec
            plsc.addupdate_scatter(cnt, [dvec], ones)

    def g_start(b):
        pltpu.async_copy(m_hbm.at[idx_s[b]], rows[b], semg[b])

    def g_wait(b):
        pltpu.make_async_copy(m_hbm.at[idx_s[b]], rows[b], semg[b]).wait()

    def scat(b):
        pltpu.sync_copy(rows[b], acc.at[idx_d[b]], add=True)

    for b in range(NSLOT):
        pk_start(b, b)
    for b in range(NSLOT):
        pk_wait(b)
        unpack(b)
        g_start(b)
        pk_start(b + NSLOT, b)

    def body(t):
        j = t * NSLOT
        for b in range(NSLOT):
            g_wait(b)
            scat(b)
            pk_wait(b)
            unpack(b)
            g_start(b)
            pk_start(j + 2 * NSLOT + b, b)

    pl.loop(0, CHUNKS_PER_W // NSLOT - 1)(body)
    for b in range(NSLOT):
        g_wait(b)
        scat(b)
        pk_wait(b)

    plsc.subcore_barrier()

    pltpu.sync_copy(
        acc.at[pl.ds(sid * ROWS_PER_SUB, ROWS_PER_SUB)],
        sums_hbm.at[cid, pl.ds(sid * ROWS_PER_SUB, ROWS_PER_SUB)],
    )
    pltpu.sync_copy(cnt, cnts_hbm.at[cid, sid])


def _segment_accumulate(m, pk, za, zc):
    mesh = plsc.VectorSubcoreMesh(core_axis_name="c", subcore_axis_name="s")
    return pl.kernel(
        _seg_body,
        out_type=[
            jax.ShapeDtypeStruct((NC, N_PAD, HID), jnp.float32),
            jax.ShapeDtypeStruct((NC, NS, N_PAD), jnp.float32),
        ],
        mesh=mesh,
        compiler_params=pltpu.CompilerParams(
            needs_layout_passes=False, use_tc_tiling_on_sc=True),
        scratch_types=[
            [pltpu.VMEM((CHUNK,), jnp.int32) for _ in range(NSLOT)],
            [pltpu.VMEM((CHUNK,), jnp.int32) for _ in range(NSLOT)],
            [pltpu.VMEM((CHUNK,), jnp.int32) for _ in range(NSLOT)],
            [pltpu.VMEM((CHUNK, HID), jnp.float32) for _ in range(NSLOT)],
            pltpu.VMEM((N_PAD,), jnp.float32),
            pltpu.VMEM_SHARED((N_PAD, HID), jnp.float32),
            [pltpu.SemaphoreType.DMA for _ in range(NSLOT)],
            [pltpu.SemaphoreType.DMA for _ in range(NSLOT)],
            [pltpu.SemaphoreType.DMA for _ in range(NSLOT)],
        ],
    )(m, pk, za, zc)


def _gru_body(x_ref, h_ref, part_ref, cnt_ref, wixt_ref, wict_ref, whht_ref,
              bih_ref, bhh_ref, out_ref):
    s = part_ref[0] + part_ref[1]
    n_in = jnp.sum(cnt_ref[...], axis=(0, 1))
    c = s / jnp.maximum(n_in, 1.0)[:, None]
    xb = x_ref[...]
    hb = h_ref[...]
    gi = (
        jnp.dot(xb, wixt_ref[...])
        + jnp.dot(c, wict_ref[...])
        + bih_ref[...]
    )
    gh = jnp.dot(hb, whht_ref[...]) + bhh_ref[...]
    r = jax.nn.sigmoid(gi[:, :HID] + gh[:, :HID])
    z = jax.nn.sigmoid(gi[:, HID:2 * HID] + gh[:, HID:2 * HID])
    nn_ = jnp.tanh(gi[:, 2 * HID:] + r * gh[:, 2 * HID:])
    out_ref[...] = (1.0 - z) * nn_ + z * hb


def _gru(x, h, partials, counts, wixt, wict, whht, bih, bhh):
    return pl.pallas_call(
        _gru_body,
        grid=(GGRID,),
        in_specs=[
            pl.BlockSpec((GBR, HID), lambda i: (i, 0)),
            pl.BlockSpec((GBR, HID), lambda i: (i, 0)),
            pl.BlockSpec((NC, GBR, HID), lambda i: (0, i, 0)),
            pl.BlockSpec((NC, NS, GBR), lambda i: (0, 0, i)),
            pl.BlockSpec((HID, 3 * HID), lambda i: (0, 0)),
            pl.BlockSpec((HID, 3 * HID), lambda i: (0, 0)),
            pl.BlockSpec((HID, 3 * HID), lambda i: (0, 0)),
            pl.BlockSpec((1, 3 * HID), lambda i: (0, 0)),
            pl.BlockSpec((1, 3 * HID), lambda i: (0, 0)),
        ],
        out_specs=pl.BlockSpec((GBR, HID), lambda i: (i, 0)),
        out_shape=jax.ShapeDtypeStruct((N_NODES, HID), jnp.float32),
    )(x, h, partials, counts, wixt, wict, whht, bih, bhh)


def kernel(x, h, edge_index, W_msg, b_msg, W_ih, W_hh, b_ih, b_hh):
    src = edge_index[0].astype(jnp.int32)
    dst = edge_index[1].astype(jnp.int32)
    pk = lax.bitwise_or(lax.shift_left(src, 14), dst)
    pk = jnp.concatenate(
        [pk.reshape(NW, EDGES_PER_W),
         jnp.full((NW, CHUNK), N_NODES, jnp.int32)], axis=1).reshape(-1)
    pk = jnp.pad(pk, (0, PK_PAD - NW * EDGES_PER_W_X))

    wxt = W_msg[:, :HID].T
    wht = W_msg[:, HID:].T
    bm = b_msg[None, :]
    wixt = W_ih[:, :HID].T
    wict = W_ih[:, HID:].T
    whht = W_hh.T
    bih = b_ih[None, :]
    bhh = b_hh[None, :]

    za = jnp.zeros((ROWS_PER_SUB, HID), jnp.float32)
    zc = jnp.zeros((N_PAD,), jnp.float32)

    m = _prep(x, h, wxt, wht, bm)
    partials, counts = _segment_accumulate(m, pk, za, zc)
    return _gru(x, h, partials, counts, wixt, wict, whht, bih, bhh)

# --- scband reference (transcript-rebuilt; emitter-appended) ---
"""Pipeline reference for scband-gnn-agent-29214367547977 (READ-ONLY COPY).

The authoritative reference and input builder live on the scoring server;
editing this copy changes nothing except your own understanding.
"""

import jax, jax.numpy as jnp
import numpy as np

N_NODES = 10000
N_EDGES = 320000
HIDDEN = 128
MSG = 128


def setup_inputs(seed: int = 0) -> dict:
    key = jax.random.key(seed)
    ks = jax.random.split(key, 10)
    x = jax.random.normal(ks[0], (N_NODES, HIDDEN), dtype=jnp.float32)
    h = jax.random.normal(ks[1], (N_NODES, HIDDEN), dtype=jnp.float32)
    edge_index = jax.random.randint(ks[2], (2, N_EDGES), 0, N_NODES, dtype=jnp.int32).astype(jnp.int64)
    # f_msg: Linear(2*hidden -> msg)
    W_msg = jax.random.normal(ks[3], (MSG, 2 * HIDDEN), dtype=jnp.float32) * 0.05
    b_msg = jax.random.normal(ks[4], (MSG,), dtype=jnp.float32) * 0.05
    # f_udt: GRUCell(input=hidden+msg, hidden=hidden)
    W_ih = jax.random.normal(ks[5], (3 * HIDDEN, HIDDEN + MSG), dtype=jnp.float32) * 0.05
    W_hh = jax.random.normal(ks[6], (3 * HIDDEN, HIDDEN), dtype=jnp.float32) * 0.05
    b_ih = jax.random.normal(ks[7], (3 * HIDDEN,), dtype=jnp.float32) * 0.05
    b_hh = jax.random.normal(ks[8], (3 * HIDDEN,), dtype=jnp.float32) * 0.05
    return {"x": x, "h": h, "edge_index": edge_index, "W_msg": W_msg, "b_msg": b_msg,
            "W_ih": W_ih, "W_hh": W_hh, "b_ih": b_ih, "b_hh": b_hh}


def reference(x, h, edge_index, W_msg, b_msg, W_ih, W_hh, b_ih, b_hh):
    n = x.shape[0]
    src = edge_index[0]
    dst = edge_index[1]
    h_det = jax.lax.stop_gradient(h)
    # msg_func: msg = f_msg(cat(x[src], h_det[src]))
    feat = jnp.concatenate([jnp.take(x, src, axis=0), jnp.take(h_det, src, axis=0)], axis=1)
    msg = feat @ W_msg.T + b_msg
    # aggr_func: mean of incoming messages (zero for isolated dst nodes)
    sums = jax.ops.segment_sum(msg, dst, num_segments=n)
    counts = jax.ops.segment_sum(jnp.ones((msg.shape[0],), dtype=jnp.float32), dst, num_segments=n)
    c = sums / jnp.clip(counts, 1.0, None)[:, None]
    # f_udt: GRUCell(cat(x, c), h)
    inp = jnp.concatenate([x, c], axis=1)
    gi = inp @ W_ih.T + b_ih
    gh = h @ W_hh.T + b_hh
    i_r, i_z, i_n = jnp.split(gi, 3, axis=1)
    h_r, h_z, h_n = jnp.split(gh, 3, axis=1)
    r = jax.nn.sigmoid(i_r + h_r)
    z = jax.nn.sigmoid(i_z + h_z)
    nn_ = jnp.tanh(i_n + r * h_n)
    h_new = (1.0 - z) * nn_ + z * h
    return h_new

if __name__ == "__main__":
    import jax
    _d = setup_inputs()
    print(jax.jit(kernel)(*tuple(_d.values())))

</pallas_src>

<mosaic_0001>
#map = affine_map<(d0, d1) -> (0, 0)>
#map1 = affine_map<(d0, d1) -> (0)>
#map2 = affine_map<(d0, d1) -> (0, 0, 0)>
module attributes {stable_mosaic.version = 14 : i64} {
  func.func @_seg_body(%arg0: i32, %arg1: i32, %arg2: memref<10000x128xf32, #tpu.memory_space<hbm>>, %arg3: memref<322880xi32, #tpu.memory_space<hbm>>, %arg4: memref<640x128xf32, #tpu.memory_space<hbm>>, %arg5: memref<10240xf32, #tpu.memory_space<hbm>>, %arg6: memref<2x10240x128xf32, #tpu.memory_space<hbm>>, %arg7: memref<2x16x10240xf32, #tpu.memory_space<hbm>>, %arg8: memref<80xi32, #tpu.memory_space<vmem>>, %arg9: memref<80xi32, #tpu.memory_space<vmem>>, %arg10: memref<80xi32, #tpu.memory_space<vmem>>, %arg11: memref<80xi32, #tpu.memory_space<vmem>>, %arg12: memref<80xi32, #tpu.memory_space<vmem>>, %arg13: memref<80xi32, #tpu.memory_space<vmem>>, %arg14: memref<80xi32, #tpu.memory_space<vmem>>, %arg15: memref<80xi32, #tpu.memory_space<vmem>>, %arg16: memref<80xi32, #tpu.memory_space<vmem>>, %arg17: memref<80x128xf32, #tpu.memory_space<vmem>>, %arg18: memref<80x128xf32, #tpu.memory_space<vmem>>, %arg19: memref<80x128xf32, #tpu.memory_space<vmem>>, %arg20: memref<10240xf32, #tpu.memory_space<vmem>>, %arg21: memref<10240x128xf32, #tpu.memory_space<vmem_shared>>, %arg22: memref<!tpu.dma_semaphore, #tpu.memory_space<semaphore_mem>>, %arg23: memref<!tpu.dma_semaphore, #tpu.memory_space<semaphore_mem>>, %arg24: memref<!tpu.dma_semaphore, #tpu.memory_space<semaphore_mem>>, %arg25: memref<!tpu.dma_semaphore, #tpu.memory_space<semaphore_mem>>, %arg26: memref<!tpu.dma_semaphore, #tpu.memory_space<semaphore_mem>>, %arg27: memref<!tpu.dma_semaphore, #tpu.memory_space<semaphore_mem>>, %arg28: memref<!tpu.dma_semaphore, #tpu.memory_space<semaphore_mem>>, %arg29: memref<!tpu.dma_semaphore, #tpu.memory_space<semaphore_mem>>, %arg30: memref<!tpu.dma_semaphore, #tpu.memory_space<semaphore_mem>>) attributes {dimension_semantics = [#tpu.dimension_semantics<core_parallel>, #tpu.dimension_semantics<subcore_parallel>], iteration_bounds = array<i64: 2, 16>, scalar_prefetch = 0 : i64, scratch_operands = 23 : i64, tpu.core_type = #tpu.core_type<sc_vector_subcore>, window_params = [{transform_indices = #map}, {transform_indices = #map1}, {transform_indices = #map}, {transform_indices = #map1}, {transform_indices = #map2}, {transform_indices = #map2}]} {
    %mul3A = arith.constant 16 : i32
    %mul3A_0 = arith.muli %arg0, %mul3A : i32
    %add3A = arith.addi %mul3A_0, %arg1 : i32
    %mul3A_1 = arith.constant 640 : i32
    %mul3A_2 = arith.muli %arg1, %mul3A_1 : i32
    "tpu.region"() ({
      %run_scoped3A = tpu.sem_alloc : memref<!tpu.dma_semaphore, #tpu.memory_space<semaphore_mem>>
      %dma_start3A_260 = arith.constant 0 : i32
      %dma_start3A_261 = tpu.memref_slice %arg21[%mul3A_2, %dma_start3A_260] : memref<10240x128xf32, #tpu.memory_space<vmem_shared>> -> memref<640x128xf32, #tpu.memory_space<vmem_shared>>
      tpu.enqueue_dma source(%arg4 : memref<640x128xf32, #tpu.memory_space<hbm>>) target(%dma_start3A_261 : memref<640x128xf32, #tpu.memory_space<vmem_shared>>) target_semaphore(%run_scoped3A : memref<!tpu.dma_semaphore, #tpu.memory_space<semaphore_mem>>)
      %dma_wait3A_262 = arith.constant 0 : i32
      %dma_wait3A_263 = tpu.memref_slice %arg21[%mul3A_2, %dma_wait3A_262] : memref<10240x128xf32, #tpu.memory_space<vmem_shared>> -> memref<640x128xf32, #tpu.memory_space<vmem_shared>>
      tpu.wait_dma2 semaphore(%run_scoped3A : memref<!tpu.dma_semaphore, #tpu.memory_space<semaphore_mem>>) src(%arg4 : memref<640x128xf32, #tpu.memory_space<hbm>>) dst(%dma_wait3A_263 : memref<640x128xf32, #tpu.memory_space<vmem_shared>>)
      tpu.yield
    }) : () -> ()
    "tpu.region"() ({
      %run_scoped3A = tpu.sem_alloc : memref<!tpu.dma_semaphore, #tpu.memory_space<semaphore_mem>>
      tpu.enqueue_dma source(%arg5 : memref<10240xf32, #tpu.memory_space<hbm>>) target(%arg20 : memref<10240xf32, #tpu.memory_space<vmem>>) target_semaphore(%run_scoped3A : memref<!tpu.dma_semaphore, #tpu.memory_space<semaphore_mem>>)
      tpu.wait_dma2 semaphore(%run_scoped3A : memref<!tpu.dma_semaphore, #tpu.memory_space<semaphore_mem>>) src(%arg5 : memref<10240xf32, #tpu.memory_space<hbm>>) dst(%arg20 : memref<10240xf32, #tpu.memory_space<vmem>>)
      tpu.yield
    }) : () -> ()
    %barrier3A = arith.constant 0 : index
    tpu.barrier barrier_id(%barrier3A)
    %mul3A_3 = arith.constant 10080 : i32
    %mul3A_4 = arith.muli %add3A, %mul3A_3 : i32
    %broadcast_in_dim3A = arith.constant 1.000000e+00 : f32
    %broadcast_in_dim3A_5 = vector.broadcast %broadcast_in_dim3A : f32 to vector<16xf32>
    %add3A_6 = arith.constant 0 : i32
    %add3A_7 = arith.addi %mul3A_4, %add3A_6 : i32
    %multiple_of3A = tpu.assume_multiple %add3A_7, 8 : i32
    %dma_start3A = tpu.memref_slice %arg3[%multiple_of3A] : memref<322880xi32, #tpu.memory_space<hbm>> -> memref<80xi32, #tpu.memory_space<hbm>>
    %dma_start3A_8 = tpu.memref_slice %arg3[%multiple_of3A] : memref<322880xi32, #tpu.memory_space<hbm>> -> memref<80xi32, #tpu.memory_space<hbm>>
    tpu.enqueue_dma source(%dma_start3A_8 : memref<80xi32, #tpu.memory_space<hbm>>) target(%arg8 : memref<80xi32, #tpu.memory_space<vmem>>) target_semaphore(%arg22 : memref<!tpu.dma_semaphore, #tpu.memory_space<semaphore_mem>>)
    %add3A_9 = arith.constant 80 : i32
    %add3A_10 = arith.addi %mul3A_4, %add3A_9 : i32
    %multiple_of3A_11 = tpu.assume_multiple %add3A_10, 8 : i32
    %dma_start3A_12 = tpu.memref_slice %arg3[%multiple_of3A_11] : memref<322880xi32, #tpu.memory_space<hbm>> -> memref<80xi32, #tpu.memory_space<hbm>>
    %dma_start3A_13 = tpu.memref_slice %arg3[%multiple_of3A_11] : memref<322880xi32, #tpu.memory_space<hbm>> -> memref<80xi32, #tpu.memory_space<hbm>>
    tpu.enqueue_dma source(%dma_start3A_13 : memref<80xi32, #tpu.memory_space<hbm>>) target(%arg9 : memref<80xi32, #tpu.memory_space<vmem>>) target_semaphore(%arg23 : memref<!tpu.dma_semaphore, #tpu.memory_space<semaphore_mem>>)
    %add3A_14 = arith.constant 160 : i32
    %add3A_15 = arith.addi %mul3A_4, %add3A_14 : i32
    %multiple_of3A_16 = tpu.assume_multiple %add3A_15, 8 : i32
    %dma_start3A_17 = tpu.memref_slice %arg3[%multiple_of3A_16] : memref<322880xi32, #tpu.memory_space<hbm>> -> memref<80xi32, #tpu.memory_space<hbm>>
    %dma_start3A_18 = tpu.memref_slice %arg3[%multiple_of3A_16] : memref<322880xi32, #tpu.memory_space<hbm>> -> memref<80xi32, #tpu.memory_space<hbm>>
    tpu.enqueue_dma source(%dma_start3A_18 : memref<80xi32, #tpu.memory_space<hbm>>) target(%arg10 : memref<80xi32, #tpu.memory_space<vmem>>) target_semaphore(%arg24 : memref<!tpu.dma_semaphore, #tpu.memory_space<semaphore_mem>>)
    %dma_wait3A = arith.constant 0 : i32
    %dma_wait3A_19 = tpu.memref_slice %arg3[%dma_wait3A] : memref<322880xi32, #tpu.memory_space<hbm>> -> memref<80xi32, #tpu.memory_space<hbm>>
    %dma_wait3A_20 = arith.constant 0 : i32
    %dma_wait3A_21 = tpu.memref_slice %arg3[%dma_wait3A_20] : memref<322880xi32, #tpu.memory_space<hbm>> -> memref<80xi32, #tpu.memory_space<hbm>>
    tpu.wait_dma2 semaphore(%arg22 : memref<!tpu.dma_semaphore, #tpu.memory_space<semaphore_mem>>) src(%dma_wait3A_21 : memref<80xi32, #tpu.memory_space<hbm>>) dst(%arg8 : memref<80xi32, #tpu.memory_space<vmem>>)
    %get3A = arith.constant 0 : index
    %get3A_22 = tpu.vector_load %arg8[%get3A] {strides = array<i32>} : memref<80xi32, #tpu.memory_space<vmem>>, vector<16xi32>,
    %and3A = arith.constant 16383 : i32
    %and3A_23 = vector.broadcast %and3A : i32 to vector<16xi32>
    %and3A_24 = arith.andi %get3A_22, %and3A_23 : vector<16xi32>
    %shift_right_logical3A = arith.constant 14 : i32
    %shift_right_logical3A_25 = vector.broadcast %shift_right_logical3A : i32 to vector<16xi32>
    %shift_right_logical3A_26 = arith.shrui %get3A_22, %shift_right_logical3A_25 : vector<16xi32>
    %swap3A = arith.constant 0 : index
    %swap3A_27 = tpu.vector_load %arg11[%swap3A] {strides = array<i32>} : memref<80xi32, #tpu.memory_space<vmem>>, vector<16xi32>,
    tpu.vector_store %arg11[%swap3A], %shift_right_logical3A_26 {strides = array<i32>} : memref<80xi32, #tpu.memory_space<vmem>>, vector<16xi32>,
    %swap3A_28 = arith.constant 0 : index
    %swap3A_29 = tpu.vector_load %arg14[%swap3A_28] {strides = array<i32>} : memref<80xi32, #tpu.memory_space<vmem>>, vector<16xi32>,
    tpu.vector_store %arg14[%swap3A_28], %and3A_24 {strides = array<i32>} : memref<80xi32, #tpu.memory_space<vmem>>, vector<16xi32>,
    tpu.vector_store_idx %arg20[%and3A_24], %broadcast_in_dim3A_5 {add = true} : memref<10240xf32, #tpu.memory_space<vmem>>[vector<16xi32>], vector<16xf32>,
    %get3A_30 = arith.constant 16 : index
    %get3A_31 = tpu.vector_load %arg8[%get3A_30] {strides = array<i32>} : memref<80xi32, #tpu.memory_space<vmem>>, vector<16xi32>,
    %and3A_32 = arith.constant 16383 : i32
    %and3A_33 = vector.broadcast %and3A_32 : i32 to vector<16xi32>
    %and3A_34 = arith.andi %get3A_31, %and3A_33 : vector<16xi32>
    %shift_right_logical3A_35 = arith.constant 14 : i32
    %shift_right_logical3A_36 = vector.broadcast %shift_right_logical3A_35 : i32 to vector<16xi32>
    %shift_right_logical3A_37 = arith.shrui %get3A_31, %shift_right_logical3A_36 : vector<16xi32>
    %swap3A_38 = arith.constant 16 : index
    %swap3A_39 = tpu.vector_load %arg11[%swap3A_38] {strides = array<i32>} : memref<80xi32, #tpu.memory_space<vmem>>, vector<16xi32>,
    tpu.vector_store %arg11[%swap3A_38], %shift_right_logical3A_37 {strides = array<i32>} : memref<80xi32, #tpu.memory_space<vmem>>, vector<16xi32>,
    %swap3A_40 = arith.constant 16 : index
    %swap3A_41 = tpu.vector_load %arg14[%swap3A_40] {strides = array<i32>} : memref<80xi32, #tpu.memory_space<vmem>>, vector<16xi32>,
    tpu.vector_store %arg14[%swap3A_40], %and3A_34 {strides = array<i32>} : memref<80xi32, #tpu.memory_space<vmem>>, vector<16xi32>,
    tpu.vector_store_idx %arg20[%and3A_34], %broadcast_in_dim3A_5 {add = true} : memref<10240xf32, #tpu.memory_space<vmem>>[vector<16xi32>], vector<16xf32>,
    %get3A_42 = arith.constant 32 : index
    %get3A_43 = tpu.vector_load %arg8[%get3A_42] {strides = array<i32>} : memref<80xi32, #tpu.memory_space<vmem>>, vector<16xi32>,
    %and3A_44 = arith.constant 16383 : i32
    %and3A_45 = vector.broadcast %and3A_44 : i32 to vector<16xi32>
    %and3A_46 = arith.andi %get3A_43, %and3A_45 : vector<16xi32>
    %shift_right_logical3A_47 = arith.constant 14 : i32
    %shift_right_logical3A_48 = vector.broadcast %shift_right_logical3A_47 : i32 to vector<16xi32>
    %shift_right_logical3A_49 = arith.shrui %get3A_43, %shift_right_logical3A_48 : vector<16xi32>
    %swap3A_50 = arith.constant 32 : index
    %swap3A_51 = tpu.vector_load %arg11[%swap3A_50] {strides = array<i32>} : memref<80xi32, #tpu.memory_space<vmem>>, vector<16xi32>,
    tpu.vector_store %arg11[%swap3A_50], %shift_right_logical3A_49 {strides = array<i32>} : memref<80xi32, #tpu.memory_space<vmem>>, vector<16xi32>,
    %swap3A_52 = arith.constant 32 : index
    %swap3A_53 = tpu.vector_load %arg14[%swap3A_52] {strides = array<i32>} : memref<80xi32, #tpu.memory_space<vmem>>, vector<16xi32>,
    tpu.vector_store %arg14[%swap3A_52], %and3A_46 {strides = array<i32>} : memref<80xi32, #tpu.memory_space<vmem>>, vector<16xi32>,
    tpu.vector_store_idx %arg20[%and3A_46], %broadcast_in_dim3A_5 {add = true} : memref<10240xf32, #tpu.memory_space<vmem>>[vector<16xi32>], vector<16xf32>,
    %get3A_54 = arith.constant 48 : index
    %get3A_55 = tpu.vector_load %arg8[%get3A_54] {strides = array<i32>} : memref<80xi32, #tpu.memory_space<vmem>>, vector<16xi32>,
    %and3A_56 = arith.constant 16383 : i32
    %and3A_57 = vector.broadcast %and3A_56 : i32 to vector<16xi32>
    %and3A_58 = arith.andi %get3A_55, %and3A_57 : vector<16xi32>
    %shift_right_logical3A_59 = arith.constant 14 : i32
    %shift_right_logical3A_60 = vector.broadcast %shift_right_logical3A_59 : i32 to vector<16xi32>
    %shift_right_logical3A_61 = arith.shrui %get3A_55, %shift_right_logical3A_60 : vector<16xi32>
    %swap3A_62 = arith.constant 48 : index
    %swap3A_63 = tpu.vector_load %arg11[%swap3A_62] {strides = array<i32>} : memref<80xi32, #tpu.memory_space<vmem>>, vector<16xi32>,
    tpu.vector_store %arg11[%swap3A_62], %shift_right_logical3A_61 {strides = array<i32>} : memref<80xi32, #tpu.memory_space<vmem>>, vector<16xi32>,
    %swap3A_64 = arith.constant 48 : index
    %swap3A_65 = tpu.vector_load %arg14[%swap3A_64] {strides = array<i32>} : memref<80xi32, #tpu.memory_space<vmem>>, vector<16xi32>,
    tpu.vector_store %arg14[%swap3A_64], %and3A_58 {strides = array<i32>} : memref<80xi32, #tpu.memory_space<vmem>>, vector<16xi32>,
    tpu.vector_store_idx %arg20[%and3A_58], %broadcast_in_dim3A_5 {add = true} : memref<10240xf32, #tpu.memory_space<vmem>>[vector<16xi32>], vector<16xf32>,
    %get3A_66 = arith.constant 64 : index
    %get3A_67 = tpu.vector_load %arg8[%get3A_66] {strides = array<i32>} : memref<80xi32, #tpu.memory_space<vmem>>, vector<16xi32>,
    %and3A_68 = arith.constant 16383 : i32
    %and3A_69 = vector.broadcast %and3A_68 : i32 to vector<16xi32>
    %and3A_70 = arith.andi %get3A_67, %and3A_69 : vector<16xi32>
    %shift_right_logical3A_71 = arith.constant 14 : i32
    %shift_right_logical3A_72 = vector.broadcast %shift_right_logical3A_71 : i32 to vector<16xi32>
    %shift_right_logical3A_73 = arith.shrui %get3A_67, %shift_right_logical3A_72 : vector<16xi32>
    %swap3A_74 = arith.constant 64 : index
    %swap3A_75 = tpu.vector_load %arg11[%swap3A_74] {strides = array<i32>} : memref<80xi32, #tpu.memory_space<vmem>>, vector<16xi32>,
    tpu.vector_store %arg11[%swap3A_74], %shift_right_logical3A_73 {strides = array<i32>} : memref<80xi32, #tpu.memory_space<vmem>>, vector<16xi32>,
    %swap3A_76 = arith.constant 64 : index
    %swap3A_77 = tpu.vector_load %arg14[%swap3A_76] {strides = array<i32>} : memref<80xi32, #tpu.memory_space<vmem>>, vector<16xi32>,
    tpu.vector_store %arg14[%swap3A_76], %and3A_70 {strides = array<i32>} : memref<80xi32, #tpu.memory_space<vmem>>, vector<16xi32>,
    tpu.vector_store_idx %arg20[%and3A_70], %broadcast_in_dim3A_5 {add = true} : memref<10240xf32, #tpu.memory_space<vmem>>[vector<16xi32>], vector<16xf32>,
    %dma_start3A_78 = arith.constant 0 : i32
    %dma_start3A_79 = arith.constant 0 : i32
    %dma_start3A_80 = tpu.memref_slice %arg2[%dma_start3A_78, %dma_start3A_79] : memref<10000x128xf32, #tpu.memory_space<hbm>> -> memref<10000x128xf32, #tpu.memory_space<hbm>>
    tpu.enqueue_indirect_dma source(%dma_start3A_80 : memref<10000x128xf32, #tpu.memory_space<hbm>>) target(%arg17 : memref<80x128xf32, #tpu.memory_space<vmem>>) offsets(%arg11 : memref<80xi32, #tpu.memory_space<vmem>>) semaphore(%arg25 : memref<!tpu.dma_semaphore, #tpu.memory_space<semaphore_mem>>)
    %add3A_81 = arith.constant 240 : i32
    %add3A_82 = arith.addi %mul3A_4, %add3A_81 : i32
    %multiple_of3A_83 = tpu.assume_multiple %add3A_82, 8 : i32
    %dma_start3A_84 = tpu.memref_slice %arg3[%multiple_of3A_83] : memref<322880xi32, #tpu.memory_space<hbm>> -> memref<80xi32, #tpu.memory_space<hbm>>
    %dma_start3A_85 = tpu.memref_slice %arg3[%multiple_of3A_83] : memref<322880xi32, #tpu.memory_space<hbm>> -> memref<80xi32, #tpu.memory_space<hbm>>
    tpu.enqueue_dma source(%dma_start3A_85 : memref<80xi32, #tpu.memory_space<hbm>>) target(%arg8 : memref<80xi32, #tpu.memory_space<vmem>>) target_semaphore(%arg22 : memref<!tpu.dma_semaphore, #tpu.memory_space<semaphore_mem>>)
    %dma_wait3A_86 = arith.constant 0 : i32
    %dma_wait3A_87 = tpu.memref_slice %arg3[%dma_wait3A_86] : memref<322880xi32, #tpu.memory_space<hbm>> -> memref<80xi32, #tpu.memory_space<hbm>>
    %dma_wait3A_88 = arith.constant 0 : i32
    %dma_wait3A_89 = tpu.memref_slice %arg3[%dma_wait3A_88] : memref<322880xi32, #tpu.memory_space<hbm>> -> memref<80xi32, #tpu.memory_space<hbm>>
    tpu.wait_dma2 semaphore(%arg23 : memref<!tpu.dma_semaphore, #tpu.memory_space<semaphore_mem>>) src(%dma_wait3A_89 : memref<80xi32, #tpu.memory_space<hbm>>) dst(%arg9 : memref<80xi32, #tpu.memory_space<vmem>>)
    %get3A_90 = arith.constant 0 : index
    %get3A_91 = tpu.vector_load %arg9[%get3A_90] {strides = array<i32>} : memref<80xi32, #tpu.memory_space<vmem>>, vector<16xi32>,
    %and3A_92 = arith.constant 16383 : i32
    %and3A_93 = vector.broadcast %and3A_92 : i32 to vector<16xi32>
    %and3A_94 = arith.andi %get3A_91, %and3A_93 : vector<16xi32>
    %shift_right_logical3A_95 = arith.constant 14 : i32
    %shift_right_logical3A_96 = vector.broadcast %shift_right_logical3A_95 : i32 to vector<16xi32>
    %shift_right_logical3A_97 = arith.shrui %get3A_91, %shift_right_logical3A_96 : vector<16xi32>
    %swap3A_98 = arith.constant 0 : index
    %swap3A_99 = tpu.vector_load %arg12[%swap3A_98] {strides = array<i32>} : memref<80xi32, #tpu.memory_space<vmem>>, vector<16xi32>,
    tpu.vector_store %arg12[%swap3A_98], %shift_right_logical3A_97 {strides = array<i32>} : memref<80xi32, #tpu.memory_space<vmem>>, vector<16xi32>,
    %swap3A_100 = arith.constant 0 : index
    %swap3A_101 = tpu.vector_load %arg15[%swap3A_100] {strides = array<i32>} : memref<80xi32, #tpu.memory_space<vmem>>, vector<16xi32>,
    tpu.vector_store %arg15[%swap3A_100], %and3A_94 {strides = array<i32>} : memref<80xi32, #tpu.memory_space<vmem>>, vector<16xi32>,
    tpu.vector_store_idx %arg20[%and3A_94], %broadcast_in_dim3A_5 {add = true} : memref<10240xf32, #tpu.memory_space<vmem>>[vector<16xi32>], vector<16xf32>,
    %get3A_102 = arith.constant 16 : index
    %get3A_103 = tpu.vector_load %arg9[%get3A_102] {strides = array<i32>} : memref<80xi32, #tpu.memory_space<vmem>>, vector<16xi32>,
    %and3A_104 = arith.constant 16383 : i32
    %and3A_105 = vector.broadcast %and3A_104 : i32 to vector<16xi32>
    %and3A_106 = arith.andi %get3A_103, %and3A_105 : vector<16xi32>
    %shift_right_logical3A_107 = arith.constant 14 : i32
    %shift_right_logical3A_108 = vector.broadcast %shift_right_logical3A_107 : i32 to vector<16xi32>
    %shift_right_logical3A_109 = arith.shrui %get3A_103, %shift_right_logical3A_108 : vector<16xi32>
    %swap3A_110 = arith.constant 16 : index
    %swap3A_111 = tpu.vector_load %arg12[%swap3A_110] {strides = array<i32>} : memref<80xi32, #tpu.memory_space<vmem>>, vector<16xi32>,
    tpu.vector_store %arg12[%swap3A_110], %shift_right_logical3A_109 {strides = array<i32>} : memref<80xi32, #tpu.memory_space<vmem>>, vector<16xi32>,
    %swap3A_112 = arith.constant 16 : index
    %swap3A_113 = tpu.vector_load %arg15[%swap3A_112] {strides = array<i32>} : memref<80xi32, #tpu.memory_space<vmem>>, vector<16xi32>,
    tpu.vector_store %arg15[%swap3A_112], %and3A_106 {strides = array<i32>} : memref<80xi32, #tpu.memory_space<vmem>>, vector<16xi32>,
    tpu.vector_store_idx %arg20[%and3A_106], %broadcast_in_dim3A_5 {add = true} : memref<10240xf32, #tpu.memory_space<vmem>>[vector<16xi32>], vector<16xf32>,
    %get3A_114 = arith.constant 32 : index
    %get3A_115 = tpu.vector_load %arg9[%get3A_114] {strides = array<i32>} : memref<80xi32, #tpu.memory_space<vmem>>, vector<16xi32>,
    %and3A_116 = arith.constant 16383 : i32
    %and3A_117 = vector.broadcast %and3A_116 : i32 to vector<16xi32>
    %and3A_118 = arith.andi %get3A_115, %and3A_117 : vector<16xi32>
    %shift_right_logical3A_119 = arith.constant 14 : i32
    %shift_right_logical3A_120 = vector.broadcast %shift_right_logical3A_119 : i32 to vector<16xi32>
    %shift_right_logical3A_121 = arith.shrui %get3A_115, %shift_right_logical3A_120 : vector<16xi32>
    %swap3A_122 = arith.constant 32 : index
    %swap3A_123 = tpu.vector_load %arg12[%swap3A_122] {strides = array<i32>} : memref<80xi32, #tpu.memory_space<vmem>>, vector<16xi32>,
    tpu.vector_store %arg12[%swap3A_122], %shift_right_logical3A_121 {strides = array<i32>} : memref<80xi32, #tpu.memory_space<vmem>>, vector<16xi32>,
    %swap3A_124 = arith.constant 32 : index
    %swap3A_125 = tpu.vector_load %arg15[%swap3A_124] {strides = array<i32>} : memref<80xi32, #tpu.memory_space<vmem>>, vector<16xi32>,
    tpu.vector_store %arg15[%swap3A_124], %and3A_118 {strides = array<i32>} : memref<80xi32, #tpu.memory_space<vmem>>, vector<16xi32>,
    tpu.vector_store_idx %arg20[%and3A_118], %broadcast_in_dim3A_5 {add = true} : memref<10240xf32, #tpu.memory_space<vmem>>[vector<16xi32>], vector<16xf32>,
    %get3A_126 = arith.constant 48 : index
    %get3A_127 = tpu.vector_load %arg9[%get3A_126] {strides = array<i32>} : memref<80xi32, #tpu.memory_space<vmem>>, vector<16xi32>,
    %and3A_128 = arith.constant 16383 : i32
    %and3A_129 = vector.broadcast %and3A_128 : i32 to vector<16xi32>
    %and3A_130 = arith.andi %get3A_127, %and3A_129 : vector<16xi32>
    %shift_right_logical3A_131 = arith.constant 14 : i32
    %shift_right_logical3A_132 = vector.broadcast %shift_right_logical3A_131 : i32 to vector<16xi32>
    %shift_right_logical3A_133 = arith.shrui %get3A_127, %shift_right_logical3A_132 : vector<16xi32>
    %swap3A_134 = arith.constant 48 : index
    %swap3A_135 = tpu.vector_load %arg12[%swap3A_134] {strides = array<i32>} : memref<80xi32, #tpu.memory_space<vmem>>, vector<16xi32>,
    tpu.vector_store %arg12[%swap3A_134], %shift_right_logical3A_133 {strides = array<i32>} : memref<80xi32, #tpu.memory_space<vmem>>, vector<16xi32>,
    %swap3A_136 = arith.constant 48 : index
    %swap3A_137 = tpu.vector_load %arg15[%swap3A_136] {strides = array<i32>} : memref<80xi32, #tpu.memory_space<vmem>>, vector<16xi32>,
    tpu.vector_store %arg15[%swap3A_136], %and3A_130 {strides = array<i32>} : memref<80xi32, #tpu.memory_space<vmem>>, vector<16xi32>,
    tpu.vector_store_idx %arg20[%and3A_130], %broadcast_in_dim3A_5 {add = true} : memref<10240xf32, #tpu.memory_space<vmem>>[vector<16xi32>], vector<16xf32>,
    %get3A_138 = arith.constant 64 : index
    %get3A_139 = tpu.vector_load %arg9[%get3A_138] {strides = array<i32>} : memref<80xi32, #tpu.memory_space<vmem>>, vector<16xi32>,
    %and3A_140 = arith.constant 16383 : i32
    %and3A_141 = vector.broadcast %and3A_140 : i32 to vector<16xi32>
    %and3A_142 = arith.andi %get3A_139, %and3A_141 : vector<16xi32>
    %shift_right_logical3A_143 = arith.constant 14 : i32
    %shift_right_logical3A_144 = vector.broadcast %shift_right_logical3A_143 : i32 to vector<16xi32>
    %shift_right_logical3A_145 = arith.shrui %get3A_139, %shift_right_logical3A_144 : vector<16xi32>
    %swap3A_146 = arith.constant 64 : index
    %swap3A_147 = tpu.vector_load %arg12[%swap3A_146] {strides = array<i32>} : memref<80xi32, #tpu.memory_space<vmem>>, vector<16xi32>,
    tpu.vector_store %arg12[%swap3A_146], %shift_right_logical3A_145 {strides = array<i32>} : memref<80xi32, #tpu.memory_space<vmem>>, vector<16xi32>,
    %swap3A_148 = arith.constant 64 : index
    %swap3A_149 = tpu.vector_load %arg15[%swap3A_148] {strides = array<i32>} : memref<80xi32, #tpu.memory_space<vmem>>, vector<16xi32>,
    tpu.vector_store %arg15[%swap3A_148], %and3A_142 {strides = array<i32>} : memref<80xi32, #tpu.memory_space<vmem>>, vector<16xi32>,
    tpu.vector_store_idx %arg20[%and3A_142], %broadcast_in_dim3A_5 {add = true} : memref<10240xf32, #tpu.memory_space<vmem>>[vector<16xi32>], vector<16xf32>,
    %dma_start3A_150 = arith.constant 0 : i32
    %dma_start3A_151 = arith.constant 0 : i32
    %dma_start3A_152 = tpu.memref_slice %arg2[%dma_start3A_150, %dma_start3A_151] : memref<10000x128xf32, #tpu.memory_space<hbm>> -> memref<10000x128xf32, #tpu.memory_space<hbm>>
    tpu.enqueue_indirect_dma source(%dma_start3A_152 : memref<10000x128xf32, #tpu.memory_space<hbm>>) target(%arg18 : memref<80x128xf32, #tpu.memory_space<vmem>>) offsets(%arg12 : memref<80xi32, #tpu.memory_space<vmem>>) semaphore(%arg26 : memref<!tpu.dma_semaphore, #tpu.memory_space<semaphore_mem>>)
    %add3A_153 = arith.constant 320 : i32
    %add3A_154 = arith.addi %mul3A_4, %add3A_153 : i32
    %multiple_of3A_155 = tpu.assume_multiple %add3A_154, 8 : i32
    %dma_start3A_156 = tpu.memref_slice %arg3[%multiple_of3A_155] : memref<322880xi32, #tpu.memory_space<hbm>> -> memref<80xi32, #tpu.memory_space<hbm>>
    %dma_start3A_157 = tpu.memref_slice %arg3[%multiple_of3A_155] : memref<322880xi32, #tpu.memory_space<hbm>> -> memref<80xi32, #tpu.memory_space<hbm>>
    tpu.enqueue_dma source(%dma_start3A_157 : memref<80xi32, #tpu.memory_space<hbm>>) target(%arg9 : memref<80xi32, #tpu.memory_space<vmem>>) target_semaphore(%arg23 : memref<!tpu.dma_semaphore, #tpu.memory_space<semaphore_mem>>)
    %dma_wait3A_158 = arith.constant 0 : i32
    %dma_wait3A_159 = tpu.memref_slice %arg3[%dma_wait3A_158] : memref<322880xi32, #tpu.memory_space<hbm>> -> memref<80xi32, #tpu.memory_space<hbm>>
    %dma_wait3A_160 = arith.constant 0 : i32
    %dma_wait3A_161 = tpu.memref_slice %arg3[%dma_wait3A_160] : memref<322880xi32, #tpu.memory_space<hbm>> -> memref<80xi32, #tpu.memory_space<hbm>>
    tpu.wait_dma2 semaphore(%arg24 : memref<!tpu.dma_semaphore, #tpu.memory_space<semaphore_mem>>) src(%dma_wait3A_161 : memref<80xi32, #tpu.memory_space<hbm>>) dst(%arg10 : memref<80xi32, #tpu.memory_space<vmem>>)
    %get3A_162 = arith.constant 0 : index
    %get3A_163 = tpu.vector_load %arg10[%get3A_162] {strides = array<i32>} : memref<80xi32, #tpu.memory_space<vmem>>, vector<16xi32>,
    %and3A_164 = arith.constant 16383 : i32
    %and3A_165 = vector.broadcast %and3A_164 : i32 to vector<16xi32>
    %and3A_166 = arith.andi %get3A_163, %and3A_165 : vector<16xi32>
    %shift_right_logical3A_167 = arith.constant 14 : i32
    %shift_right_logical3A_168 = vector.broadcast %shift_right_logical3A_167 : i32 to vector<16xi32>
    %shift_right_logical3A_169 = arith.shrui %get3A_163, %shift_right_logical3A_168 : vector<16xi32>
    %swap3A_170 = arith.constant 0 : index
    %swap3A_171 = tpu.vector_load %arg13[%swap3A_170] {strides = array<i32>} : memref<80xi32, #tpu.memory_space<vmem>>, vector<16xi32>,
    tpu.vector_store %arg13[%swap3A_170], %shift_right_logical3A_169 {strides = array<i32>} : memref<80xi32, #tpu.memory_space<vmem>>, vector<16xi32>,
    %swap3A_172 = arith.constant 0 : index
    %swap3A_173 = tpu.vector_load %arg16[%swap3A_172] {strides = array<i32>} : memref<80xi32, #tpu.memory_space<vmem>>, vector<16xi32>,
    tpu.vector_store %arg16[%swap3A_172], %and3A_166 {strides = array<i32>} : memref<80xi32, #tpu.memory_space<vmem>>, vector<16xi32>,
    tpu.vector_store_idx %arg20[%and3A_166], %broadcast_in_dim3A_5 {add = true} : memref<10240xf32, #tpu.memory_space<vmem>>[vector<16xi32>], vector<16xf32>,
    %get3A_174 = arith.constant 16 : index
    %get3A_175 = tpu.vector_load %arg10[%get3A_174] {strides = array<i32>} : memref<80xi32, #tpu.memory_space<vmem>>, vector<16xi32>,
    %and3A_176 = arith.constant 16383 : i32
    %and3A_177 = vector.broadcast %and3A_176 : i32 to vector<16xi32>
    %and3A_178 = arith.andi %get3A_175, %and3A_177 : vector<16xi32>
    %shift_right_logical3A_179 = arith.constant 14 : i32
    %shift_right_logical3A_180 = vector.broadcast %shift_right_logical3A_179 : i32 to vector<16xi32>
    %shift_right_logical3A_181 = arith.shrui %get3A_175, %shift_right_logical3A_180 : vector<16xi32>
    %swap3A_182 = arith.constant 16 : index
    %swap3A_183 = tpu.vector_load %arg13[%swap3A_182] {strides = array<i32>} : memref<80xi32, #tpu.memory_space<vmem>>, vector<16xi32>,
    tpu.vector_store %arg13[%swap3A_182], %shift_right_logical3A_181 {strides = array<i32>} : memref<80xi32, #tpu.memory_space<vmem>>, vector<16xi32>,
    %swap3A_184 = arith.constant 16 : index
    %swap3A_185 = tpu.vector_load %arg16[%swap3A_184] {strides = array<i32>} : memref<80xi32, #tpu.memory_space<vmem>>, vector<16xi32>,
    tpu.vector_store %arg16[%swap3A_184], %and3A_178 {strides = array<i32>} : memref<80xi32, #tpu.memory_space<vmem>>, vector<16xi32>,
    tpu.vector_store_idx %arg20[%and3A_178], %broadcast_in_dim3A_5 {add = true} : memref<10240xf32, #tpu.memory_space<vmem>>[vector<16xi32>], vector<16xf32>,
    %get3A_186 = arith.constant 32 : index
    %get3A_187 = tpu.vector_load %arg10[%get3A_186] {strides = array<i32>} : memref<80xi32, #tpu.memory_space<vmem>>, vector<16xi32>,
    %and3A_188 = arith.constant 16383 : i32
    %and3A_189 = vector.broadcast %and3A_188 : i32 to vector<16xi32>
    %and3A_190 = arith.andi %get3A_187, %and3A_189 : vector<16xi32>
    %shift_right_logical3A_191 = arith.constant 14 : i32
    %shift_right_logical3A_192 = vector.broadcast %shift_right_logical3A_191 : i32 to vector<16xi32>
    %shift_right_logical3A_193 = arith.shrui %get3A_187, %shift_right_logical3A_192 : vector<16xi32>
    %swap3A_194 = arith.constant 32 : index
    %swap3A_195 = tpu.vector_load %arg13[%swap3A_194] {strides = array<i32>} : memref<80xi32, #tpu.memory_space<vmem>>, vector<16xi32>,
    tpu.vector_store %arg13[%swap3A_194], %shift_right_logical3A_193 {strides = array<i32>} : memref<80xi32, #tpu.memory_space<vmem>>, vector<16xi32>,
    %swap3A_196 = arith.constant 32 : index
    %swap3A_197 = tpu.vector_load %arg16[%swap3A_196] {strides = array<i32>} : memref<80xi32, #tpu.memory_space<vmem>>, vector<16xi32>,
    tpu.vector_store %arg16[%swap3A_196], %and3A_190 {strides = array<i32>} : memref<80xi32, #tpu.memory_space<vmem>>, vector<16xi32>,
    tpu.vector_store_idx %arg20[%and3A_190], %broadcast_in_dim3A_5 {add = true} : memref<10240xf32, #tpu.memory_space<vmem>>[vector<16xi32>], vector<16xf32>,
    %get3A_198 = arith.constant 48 : index
    %get3A_199 = tpu.vector_load %arg10[%get3A_198] {strides = array<i32>} : memref<80xi32, #tpu.memory_space<vmem>>, vector<16xi32>,
    %and3A_200 = arith.constant 16383 : i32
    %and3A_201 = vector.broadcast %and3A_200 : i32 to vector<16xi32>
    %and3A_202 = arith.andi %get3A_199, %and3A_201 : vector<16xi32>
    %shift_right_logical3A_203 = arith.constant 14 : i32
    %shift_right_logical3A_204 = vector.broadcast %shift_right_logical3A_203 : i32 to vector<16xi32>
    %shift_right_logical3A_205 = arith.shrui %get3A_199, %shift_right_logical3A_204 : vector<16xi32>
    %swap3A_206 = arith.constant 48 : index
    %swap3A_207 = tpu.vector_load %arg13[%swap3A_206] {strides = array<i32>} : memref<80xi32, #tpu.memory_space<vmem>>, vector<16xi32>,
    tpu.vector_store %arg13[%swap3A_206], %shift_right_logical3A_205 {strides = array<i32>} : memref<80xi32, #tpu.memory_space<vmem>>, vector<16xi32>,
    %swap3A_208 = arith.constant 48 : index
    %swap3A_209 = tpu.vector_load %arg16[%swap3A_208] {strides = array<i32>} : memref<80xi32, #tpu.memory_space<vmem>>, vector<16xi32>,
    tpu.vector_store %arg16[%swap3A_208], %and3A_202 {strides = array<i32>} : memref<80xi32, #tpu.memory_space<vmem>>, vector<16xi32>,
    tpu.vector_store_idx %arg20[%and3A_202], %broadcast_in_dim3A_5 {add = true} : memref<10240xf32, #tpu.memory_space<vmem>>[vector<16xi32>], vector<16xf32>,
    %get3A_210 = arith.constant 64 : index
    %get3A_211 = tpu.vector_load %arg10[%get3A_210] {strides = array<i32>} : memref<80xi32, #tpu.memory_space<vmem>>, vector<16xi32>,
    %and3A_212 = arith.constant 16383 : i32
    %and3A_213 = vector.broadcast %and3A_212 : i32 to vector<16xi32>
    %and3A_214 = arith.andi %get3A_211, %and3A_213 : vector<16xi32>
    %shift_right_logical3A_215 = arith.constant 14 : i32
    %shift_right_logical3A_216 = vector.broadcast %shift_right_logical3A_215 : i32 to vector<16xi32>
    %shift_right_logical3A_217 = arith.shrui %get3A_211, %shift_right_logical3A_216 : vector<16xi32>
    %swap3A_218 = arith.constant 64 : index
    %swap3A_219 = tpu.vector_load %arg13[%swap3A_218] {strides = array<i32>} : memref<80xi32, #tpu.memory_space<vmem>>, vector<16xi32>,
    tpu.vector_store %arg13[%swap3A_218], %shift_right_logical3A_217 {strides = array<i32>} : memref<80xi32, #tpu.memory_space<vmem>>, vector<16xi32>,
    %swap3A_220 = arith.constant 64 : index
    %swap3A_221 = tpu.vector_load %arg16[%swap3A_220] {strides = array<i32>} : memref<80xi32, #tpu.memory_space<vmem>>, vector<16xi32>,
    tpu.vector_store %arg16[%swap3A_220], %and3A_214 {strides = array<i32>} : memref<80xi32, #tpu.memory_space<vmem>>, vector<16xi32>,
    tpu.vector_store_idx %arg20[%and3A_214], %broadcast_in_dim3A_5 {add = true} : memref<10240xf32, #tpu.memory_space<vmem>>[vector<16xi32>], vector<16xf32>,
    %dma_start3A_222 = arith.constant 0 : i32
    %dma_start3A_223 = arith.constant 0 : i32
    %dma_start3A_224 = tpu.memref_slice %arg2[%dma_start3A_222, %dma_start3A_223] : memref<10000x128xf32, #tpu.memory_space<hbm>> -> memref<10000x128xf32, #tpu.memory_space<hbm>>
    tpu.enqueue_indirect_dma source(%dma_start3A_224 : memref<10000x128xf32, #tpu.memory_space<hbm>>) target(%arg19 : memref<80x128xf32, #tpu.memory_space<vmem>>) offsets(%arg13 : memref<80xi32, #tpu.memory_space<vmem>>) semaphore(%arg27 : memref<!tpu.dma_semaphore, #tpu.memory_space<semaphore_mem>>)
    %add3A_225 = arith.constant 400 : i32
    %add3A_226 = arith.addi %mul3A_4, %add3A_225 : i32
    %multiple_of3A_227 = tpu.assume_multiple %add3A_226, 8 : i32
    %dma_start3A_228 = tpu.memref_slice %arg3[%multiple_of3A_227] : memref<322880xi32, #tpu.memory_space<hbm>> -> memref<80xi32, #tpu.memory_space<hbm>>
    %dma_start3A_229 = tpu.memref_slice %arg3[%multiple_of3A_227] : memref<322880xi32, #tpu.memory_space<hbm>> -> memref<80xi32, #tpu.memory_space<hbm>>
    tpu.enqueue_dma source(%dma_start3A_229 : memref<80xi32, #tpu.memory_space<hbm>>) target(%arg10 : memref<80xi32, #tpu.memory_space<vmem>>) target_semaphore(%arg24 : memref<!tpu.dma_semaphore, #tpu.memory_space<semaphore_mem>>)
    %scan3A = arith.constant 0 : i32
    %scan3A_230 = arith.constant 41 : i32
    %scan3A_231 = arith.addi %scan3A, %scan3A_230 : i32
    %scan3A_232 = arith.constant 1 : i32
    scf.for %scan3A_260 = %scan3A to %scan3A_231 step %scan3A_232  : i32 {
      %mul3A_261 = arith.constant 1 : i32
      %mul3A_262 = arith.muli %scan3A_260, %mul3A_261 : i32
      %add3A_263 = arith.constant 0 : i32
      %add3A_264 = arith.addi %add3A_263, %mul3A_262 : i32
      %mul3A_265 = arith.constant 3 : i32
      %mul3A_266 = arith.muli %add3A_264, %mul3A_265 : i32
      %dma_wait3A_267 = arith.constant 0 : i32
      %dma_wait3A_268 = arith.constant 0 : i32
      %dma_wait3A_269 = tpu.memref_slice %arg2[%dma_wait3A_267, %dma_wait3A_268] : memref<10000x128xf32, #tpu.memory_space<hbm>> -> memref<10000x128xf32, #tpu.memory_space<hbm>>
      tpu.wait_indirect_dma semaphore(%arg25 : memref<!tpu.dma_semaphore, #tpu.memory_space<semaphore_mem>>) src(%dma_wait3A_269 : memref<10000x128xf32, #tpu.memory_space<hbm>>) dst(%arg17 : memref<80x128xf32, #tpu.memory_space<vmem>>)
      "tpu.region"() ({
        %run_scoped3A = tpu.sem_alloc : memref<!tpu.dma_semaphore, #tpu.memory_space<semaphore_mem>>
        %dma_start3A_507 = arith.constant 0 : i32
        %dma_start3A_508 = arith.constant 0 : i32
        %dma_start3A_509 = tpu.memref_slice %arg21[%dma_start3A_507, %dma_start3A_508] : memref<10240x128xf32, #tpu.memory_space<vmem_shared>> -> memref<10240x128xf32, #tpu.memory_space<vmem_shared>>
        tpu.enqueue_indirect_dma source(%arg17 : memref<80x128xf32, #tpu.memory_space<vmem>>) target(%dma_start3A_509 : memref<10240x128xf32, #tpu.memory_space<vmem_shared>>) offsets(%arg14 : memref<80xi32, #tpu.memory_space<vmem>>) semaphore(%run_scoped3A : memref<!tpu.dma_semaphore, #tpu.memory_space<semaphore_mem>>) {add = true}
        %dma_wait3A_510 = arith.constant 0 : i32
        %dma_wait3A_511 = arith.constant 0 : i32
        %dma_wait3A_512 = tpu.memref_slice %arg21[%dma_wait3A_510, %dma_wait3A_511] : memref<10240x128xf32, #tpu.memory_space<vmem_shared>> -> memref<10240x128xf32, #tpu.memory_space<vmem_shared>>
        tpu.wait_indirect_dma semaphore(%run_scoped3A : memref<!tpu.dma_semaphore, #tpu.memory_space<semaphore_mem>>) src(%arg17 : memref<80x128xf32, #tpu.memory_space<vmem>>) dst(%dma_wait3A_512 : memref<10240x128xf32, #tpu.memory_space<vmem_shared>>)
        tpu.yield
      }) : () -> ()
      %dma_wait3A_270 = arith.constant 0 : i32
      %dma_wait3A_271 = tpu.memref_slice %arg3[%dma_wait3A_270] : memref<322880xi32, #tpu.memory_space<hbm>> -> memref<80xi32, #tpu.memory_space<hbm>>
      %dma_wait3A_272 = arith.constant 0 : i32
      %dma_wait3A_273 = tpu.memref_slice %arg3[%dma_wait3A_272] : memref<322880xi32, #tpu.memory_space<hbm>> -> memref<80xi32, #tpu.memory_space<hbm>>
      tpu.wait_dma2 semaphore(%arg22 : memref<!tpu.dma_semaphore, #tpu.memory_space<semaphore_mem>>) src(%dma_wait3A_273 : memref<80xi32, #tpu.memory_space<hbm>>) dst(%arg8 : memref<80xi32, #tpu.memory_space<vmem>>)
      %get3A_274 = arith.constant 0 : index
      %get3A_275 = tpu.vector_load %arg8[%get3A_274] {strides = array<i32>} : memref<80xi32, #tpu.memory_space<vmem>>, vector<16xi32>,
      %and3A_276 = arith.constant 16383 : i32
      %and3A_277 = vector.broadcast %and3A_276 : i32 to vector<16xi32>
      %and3A_278 = arith.andi %get3A_275, %and3A_277 : vector<16xi32>
      %shift_right_logical3A_279 = arith.constant 14 : i32
      %shift_right_logical3A_280 = vector.broadcast %shift_right_logical3A_279 : i32 to vector<16xi32>
      %shift_right_logical3A_281 = arith.shrui %get3A_275, %shift_right_logical3A_280 : vector<16xi32>
      %swap3A_282 = arith.constant 0 : index
      %swap3A_283 = tpu.vector_load %arg11[%swap3A_282] {strides = array<i32>} : memref<80xi32, #tpu.memory_space<vmem>>, vector<16xi32>,
      tpu.vector_store %arg11[%swap3A_282], %shift_right_logical3A_281 {strides = array<i32>} : memref<80xi32, #tpu.memory_space<vmem>>, vector<16xi32>,
      %swap3A_284 = arith.constant 0 : index
      %swap3A_285 = tpu.vector_load %arg14[%swap3A_284] {strides = array<i32>} : memref<80xi32, #tpu.memory_space<vmem>>, vector<16xi32>,
      tpu.vector_store %arg14[%swap3A_284], %and3A_278 {strides = array<i32>} : memref<80xi32, #tpu.memory_space<vmem>>, vector<16xi32>,
      tpu.vector_store_idx %arg20[%and3A_278], %broadcast_in_dim3A_5 {add = true} : memref<10240xf32, #tpu.memory_space<vmem>>[vector<16xi32>], vector<16xf32>,
      %get3A_286 = arith.constant 16 : index
      %get3A_287 = tpu.vector_load %arg8[%get3A_286] {strides = array<i32>} : memref<80xi32, #tpu.memory_space<vmem>>, vector<16xi32>,
      %and3A_288 = arith.constant 16383 : i32
      %and3A_289 = vector.broadcast %and3A_288 : i32 to vector<16xi32>
      %and3A_290 = arith.andi %get3A_287, %and3A_289 : vector<16xi32>
      %shift_right_logical3A_291 = arith.constant 14 : i32
      %shift_right_logical3A_292 = vector.broadcast %shift_right_logical3A_291 : i32 to vector<16xi32>
      %shift_right_logical3A_293 = arith.shrui %get3A_287, %shift_right_logical3A_292 : vector<16xi32>
      %swap3A_294 = arith.constant 16 : index
      %swap3A_295 = tpu.vector_load %arg11[%swap3A_294] {strides = array<i32>} : memref<80xi32, #tpu.memory_space<vmem>>, vector<16xi32>,
      tpu.vector_store %arg11[%swap3A_294], %shift_right_logical3A_293 {strides = array<i32>} : memref<80xi32, #tpu.memory_space<vmem>>, vector<16xi32>,
      %swap3A_296 = arith.constant 16 : index
      %swap3A_297 = tpu.vector_load %arg14[%swap3A_296] {strides = array<i32>} : memref<80xi32, #tpu.memory_space<vmem>>, vector<16xi32>,
      tpu.vector_store %arg14[%swap3A_296], %and3A_290 {strides = array<i32>} : memref<80xi32, #tpu.memory_space<vmem>>, vector<16xi32>,
      tpu.vector_store_idx %arg20[%and3A_290], %broadcast_in_dim3A_5 {add = true} : memref<10240xf32, #tpu.memory_space<vmem>>[vector<16xi32>], vector<16xf32>,
      %get3A_298 = arith.constant 32 : index
      %get3A_299 = tpu.vector_load %arg8[%get3A_298] {strides = array<i32>} : memref<80xi32, #tpu.memory_space<vmem>>, vector<16xi32>,
      %and3A_300 = arith.constant 16383 : i32
      %and3A_301 = vector.broadcast %and3A_300 : i32 to vector<16xi32>
      %and3A_302 = arith.andi %get3A_299, %and3A_301 : vector<16xi32>
      %shift_right_logical3A_303 = arith.constant 14 : i32
      %shift_right_logical3A_304 = vector.broadcast %shift_right_logical3A_303 : i32 to vector<16xi32>
      %shift_right_logical3A_305 = arith.shrui %get3A_299, %shift_right_logical3A_304 : vector<16xi32>
      %swap3A_306 = arith.constant 32 : index
      %swap3A_307 = tpu.vector_load %arg11[%swap3A_306] {strides = array<i32>} : memref<80xi32, #tpu.memory_space<vmem>>, vector<16xi32>,
      tpu.vector_store %arg11[%swap3A_306], %shift_right_logical3A_305 {strides = array<i32>} : memref<80xi32, #tpu.memory_space<vmem>>, vector<16xi32>,
      %swap3A_308 = arith.constant 32 : index
      %swap3A_309 = tpu.vector_load %arg14[%swap3A_308] {strides = array<i32>} : memref<80xi32, #tpu.memory_space<vmem>>, vector<16xi32>,
      tpu.vector_store %arg14[%swap3A_308], %and3A_302 {strides = array<i32>} : memref<80xi32, #tpu.memory_space<vmem>>, vector<16xi32>,
      tpu.vector_store_idx %arg20[%and3A_302], %broadcast_in_dim3A_5 {add = true} : memref<10240xf32, #tpu.memory_space<vmem>>[vector<16xi32>], vector<16xf32>,
      %get3A_310 = arith.constant 48 : index
      %get3A_311 = tpu.vector_load %arg8[%get3A_310] {strides = array<i32>} : memref<80xi32, #tpu.memory_space<vmem>>, vector<16xi32>,
      %and3A_312 = arith.constant 16383 : i32
      %and3A_313 = vector.broadcast %and3A_312 : i32 to vector<16xi32>
      %and3A_314 = arith.andi %get3A_311, %and3A_313 : vector<16xi32>
      %shift_right_logical3A_315 = arith.constant 14 : i32
      %shift_right_logical3A_316 = vector.broadcast %shift_right_logical3A_315 : i32 to vector<16xi32>
      %shift_right_logical3A_317 = arith.shrui %get3A_311, %shift_right_logical3A_316 : vector<16xi32>
      %swap3A_318 = arith.constant 48 : index
      %swap3A_319 = tpu.vector_load %arg11[%swap3A_318] {strides = array<i32>} : memref<80xi32, #tpu.memory_space<vmem>>, vector<16xi32>,
      tpu.vector_store %arg11[%swap3A_318], %shift_right_logical3A_317 {strides = array<i32>} : memref<80xi32, #tpu.memory_space<vmem>>, vector<16xi32>,
      %swap3A_320 = arith.constant 48 : index
      %swap3A_321 = tpu.vector_load %arg14[%swap3A_320] {strides = array<i32>} : memref<80xi32, #tpu.memory_space<vmem>>, vector<16xi32>,
      tpu.vector_store %arg14[%swap3A_320], %and3A_314 {strides = array<i32>} : memref<80xi32, #tpu.memory_space<vmem>>, vector<16xi32>,
      tpu.vector_store_idx %arg20[%and3A_314], %broadcast_in_dim3A_5 {add = true} : memref<10240xf32, #tpu.memory_space<vmem>>[vector<16xi32>], vector<16xf32>,
      %get3A_322 = arith.constant 64 : index
      %get3A_323 = tpu.vector_load %arg8[%get3A_322] {strides = array<i32>} : memref<80xi32, #tpu.memory_space<vmem>>, vector<16xi32>,
      %and3A_324 = arith.constant 16383 : i32
      %and3A_325 = vector.broadcast %and3A_324 : i32 to vector<16xi32>
      %and3A_326 = arith.andi %get3A_323, %and3A_325 : vector<16xi32>
      %shift_right_logical3A_327 = arith.constant 14 : i32
      %shift_right_logical3A_328 = vector.broadcast %shift_right_logical3A_327 : i32 to vector<16xi32>
      %shift_right_logical3A_329 = arith.shrui %get3A_323, %shift_right_logical3A_328 : vector<16xi32>
      %swap3A_330 = arith.constant 64 : index
      %swap3A_331 = tpu.vector_load %arg11[%swap3A_330] {strides = array<i32>} : memref<80xi32, #tpu.memory_space<vmem>>, vector<16xi32>,
      tpu.vector_store %arg11[%swap3A_330], %shift_right_logical3A_329 {strides = array<i32>} : memref<80xi32, #tpu.memory_space<vmem>>, vector<16xi32>,
      %swap3A_332 = arith.constant 64 : index
      %swap3A_333 = tpu.vector_load %arg14[%swap3A_332] {strides = array<i32>} : memref<80xi32, #tpu.memory_space<vmem>>, vector<16xi32>,
      tpu.vector_store %arg14[%swap3A_332], %and3A_326 {strides = array<i32>} : memref<80xi32, #tpu.memory_space<vmem>>, vector<16xi32>,
      tpu.vector_store_idx %arg20[%and3A_326], %broadcast_in_dim3A_5 {add = true} : memref<10240xf32, #tpu.memory_space<vmem>>[vector<16xi32>], vector<16xf32>,
      %dma_start3A_334 = arith.constant 0 : i32
      %dma_start3A_335 = arith.constant 0 : i32
      %dma_start3A_336 = tpu.memref_slice %arg2[%dma_start3A_334, %dma_start3A_335] : memref<10000x128xf32, #tpu.memory_space<hbm>> -> memref<10000x128xf32, #tpu.memory_space<hbm>>
      tpu.enqueue_indirect_dma source(%dma_start3A_336 : memref<10000x128xf32, #tpu.memory_space<hbm>>) target(%arg17 : memref<80x128xf32, #tpu.memory_space<vmem>>) offsets(%arg11 : memref<80xi32, #tpu.memory_space<vmem>>) semaphore(%arg25 : memref<!tpu.dma_semaphore, #tpu.memory_space<semaphore_mem>>)
      %add3A_337 = arith.constant 6 : i32
      %add3A_338 = arith.addi %mul3A_266, %add3A_337 : i32
      %add3A_339 = arith.constant 0 : i32
      %add3A_340 = arith.addi %add3A_338, %add3A_339 : i32
      %mul3A_341 = arith.constant 80 : i32
      %mul3A_342 = arith.muli %add3A_340, %mul3A_341 : i32
      %add3A_343 = arith.addi %mul3A_4, %mul3A_342 : i32
      %multiple_of3A_344 = tpu.assume_multiple %add3A_343, 8 : i32
      %dma_start3A_345 = tpu.memref_slice %arg3[%multiple_of3A_344] : memref<322880xi32, #tpu.memory_space<hbm>> -> memref<80xi32, #tpu.memory_space<hbm>>
      %dma_start3A_346 = tpu.memref_slice %arg3[%multiple_of3A_344] : memref<322880xi32, #tpu.memory_space<hbm>> -> memref<80xi32, #tpu.memory_space<hbm>>
      tpu.enqueue_dma source(%dma_start3A_346 : memref<80xi32, #tpu.memory_space<hbm>>) target(%arg8 : memref<80xi32, #tpu.memory_space<vmem>>) target_semaphore(%arg22 : memref<!tpu.dma_semaphore, #tpu.memory_space<semaphore_mem>>)
      %dma_wait3A_347 = arith.constant 0 : i32
      %dma_wait3A_348 = arith.constant 0 : i32
      %dma_wait3A_349 = tpu.memref_slice %arg2[%dma_wait3A_347, %dma_wait3A_348] : memref<10000x128xf32, #tpu.memory_space<hbm>> -> memref<10000x128xf32, #tpu.memory_space<hbm>>
      tpu.wait_indirect_dma semaphore(%arg26 : memref<!tpu.dma_semaphore, #tpu.memory_space<semaphore_mem>>) src(%dma_wait3A_349 : memref<10000x128xf32, #tpu.memory_space<hbm>>) dst(%arg18 : memref<80x128xf32, #tpu.memory_space<vmem>>)
      "tpu.region"() ({
        %run_scoped3A = tpu.sem_alloc : memref<!tpu.dma_semaphore, #tpu.memory_space<semaphore_mem>>
        %dma_start3A_507 = arith.constant 0 : i32
        %dma_start3A_508 = arith.constant 0 : i32
        %dma_start3A_509 = tpu.memref_slice %arg21[%dma_start3A_507, %dma_start3A_508] : memref<10240x128xf32, #tpu.memory_space<vmem_shared>> -> memref<10240x128xf32, #tpu.memory_space<vmem_shared>>
        tpu.enqueue_indirect_dma source(%arg18 : memref<80x128xf32, #tpu.memory_space<vmem>>) target(%dma_start3A_509 : memref<10240x128xf32, #tpu.memory_space<vmem_shared>>) offsets(%arg15 : memref<80xi32, #tpu.memory_space<vmem>>) semaphore(%run_scoped3A : memref<!tpu.dma_semaphore, #tpu.memory_space<semaphore_mem>>) {add = true}
        %dma_wait3A_510 = arith.constant 0 : i32
        %dma_wait3A_511 = arith.constant 0 : i32
        %dma_wait3A_512 = tpu.memref_slice %arg21[%dma_wait3A_510, %dma_wait3A_511] : memref<10240x128xf32, #tpu.memory_space<vmem_shared>> -> memref<10240x128xf32, #tpu.memory_space<vmem_shared>>
        tpu.wait_indirect_dma semaphore(%run_scoped3A : memref<!tpu.dma_semaphore, #tpu.memory_space<semaphore_mem>>) src(%arg18 : memref<80x128xf32, #tpu.memory_space<vmem>>) dst(%dma_wait3A_512 : memref<10240x128xf32, #tpu.memory_space<vmem_shared>>)
        tpu.yield
      }) : () -> ()
      %dma_wait3A_350 = arith.constant 0 : i32
      %dma_wait3A_351 = tpu.memref_slice %arg3[%dma_wait3A_350] : memref<322880xi32, #tpu.memory_space<hbm>> -> memref<80xi32, #tpu.memory_space<hbm>>
      %dma_wait3A_352 = arith.constant 0 : i32
      %dma_wait3A_353 = tpu.memref_slice %arg3[%dma_wait3A_352] : memref<322880xi32, #tpu.memory_space<hbm>> -> memref<80xi32, #tpu.memory_space<hbm>>
      tpu.wait_dma2 semaphore(%arg23 : memref<!tpu.dma_semaphore, #tpu.memory_space<semaphore_mem>>) src(%dma_wait3A_353 : memref<80xi32, #tpu.memory_space<hbm>>) dst(%arg9 : memref<80xi32, #tpu.memory_space<vmem>>)
      %get3A_354 = arith.constant 0 : index
      %get3A_355 = tpu.vector_load %arg9[%get3A_354] {strides = array<i32>} : memref<80xi32, #tpu.memory_space<vmem>>, vector<16xi32>,
      %and3A_356 = arith.constant 16383 : i32
      %and3A_357 = vector.broadcast %and3A_356 : i32 to vector<16xi32>
      %and3A_358 = arith.andi %get3A_355, %and3A_357 : vector<16xi32>
      %shift_right_logical3A_359 = arith.constant 14 : i32
      %shift_right_logical3A_360 = vector.broadcast %shift_right_logical3A_359 : i32 to vector<16xi32>
      %shift_right_logical3A_361 = arith.shrui %get3A_355, %shift_right_logical3A_360 : vector<16xi32>
      %swap3A_362 = arith.constant 0 : index
      %swap3A_363 = tpu.vector_load %arg12[%swap3A_362] {strides = array<i32>} : memref<80xi32, #tpu.memory_space<vmem>>, vector<16xi32>,
      tpu.vector_store %arg12[%swap3A_362], %shift_right_logical3A_361 {strides = array<i32>} : memref<80xi32, #tpu.memory_space<vmem>>, vector<16xi32>,
      %swap3A_364 = arith.constant 0 : index
      %swap3A_365 = tpu.vector_load %arg15[%swap3A_364] {strides = array<i32>} : memref<80xi32, #tpu.memory_space<vmem>>, vector<16xi32>,
      tpu.vector_store %arg15[%swap3A_364], %and3A_358 {strides = array<i32>} : memref<80xi32, #tpu.memory_space<vmem>>, vector<16xi32>,
      tpu.vector_store_idx %arg20[%and3A_358], %broadcast_in_dim3A_5 {add = true} : memref<10240xf32, #tpu.memory_space<vmem>>[vector<16xi32>], vector<16xf32>,
      %get3A_366 = arith.constant 16 : index
      %get3A_367 = tpu.vector_load %arg9[%get3A_366] {strides = array<i32>} : memref<80xi32, #tpu.memory_space<vmem>>, vector<16xi32>,
      %and3A_368 = arith.constant 16383 : i32
      %and3A_369 = vector.broadcast %and3A_368 : i32 to vector<16xi32>
      %and3A_370 = arith.andi %get3A_367, %and3A_369 : vector<16xi32>
      %shift_right_logical3A_371 = arith.constant 14 : i32
      %shift_right_logical3A_372 = vector.broadcast %shift_right_logical3A_371 : i32 to vector<16xi32>
      %shift_right_logical3A_373 = arith.shrui %get3A_367, %shift_right_logical3A_372 : vector<16xi32>
      %swap3A_374 = arith.constant 16 : index
      %swap3A_375 = tpu.vector_load %arg12[%swap3A_374] {strides = array<i32>} : memref<80xi32, #tpu.memory_space<vmem>>, vector<16xi32>,
      tpu.vector_store %arg12[%swap3A_374], %shift_right_logical3A_373 {strides = array<i32>} : memref<80xi32, #tpu.memory_space<vmem>>, vector<16xi32>,
      %swap3A_376 = arith.constant 16 : index
      %swap3A_377 = tpu.vector_load %arg15[%swap3A_376] {strides = array<i32>} : memref<80xi32, #tpu.memory_space<vmem>>, vector<16xi32>,
      tpu.vector_store %arg15[%swap3A_376], %and3A_370 {strides = array<i32>} : memref<80xi32, #tpu.memory_space<vmem>>, vector<16xi32>,
      tpu.vector_store_idx %arg20[%and3A_370], %broadcast_in_dim3A_5 {add = true} : memref<10240xf32, #tpu.memory_space<vmem>>[vector<16xi32>], vector<16xf32>,
      %get3A_378 = arith.constant 32 : index
      %get3A_379 = tpu.vector_load %arg9[%get3A_378] {strides = array<i32>} : memref<80xi32, #tpu.memory_space<vmem>>, vector<16xi32>,
      %and3A_380 = arith.constant 16383 : i32
      %and3A_381 = vector.broadcast %and3A_380 : i32 to vector<16xi32>
      %and3A_382 = arith.andi %get3A_379, %and3A_381 : vector<16xi32>
      %shift_right_logical3A_383 = arith.constant 14 : i32
      %shift_right_logical3A_384 = vector.broadcast %shift_right_logical3A_383 : i32 to vector<16xi32>
      %shift_right_logical3A_385 = arith.shrui %get3A_379, %shift_right_logical3A_384 : vector<16xi32>
      %swap3A_386 = arith.constant 32 : index
      %swap3A_387 = tpu.vector_load %arg12[%swap3A_386] {strides = array<i32>} : memref<80xi32, #tpu.memory_space<vmem>>, vector<16xi32>,
      tpu.vector_store %arg12[%swap3A_386], %shift_right_logical3A_385 {strides = array<i32>} : memref<80xi32, #tpu.memory_space<vmem>>, vector<16xi32>,
      %swap3A_388 = arith.constant 32 : index
      %swap3A_389 = tpu.vector_load %arg15[%swap3A_388] {strides = array<i32>} : memref<80xi32, #tpu.memory_space<vmem>>, vector<16xi32>,
      tpu.vector_store %arg15[%swap3A_388], %and3A_382 {strides = array<i32>} : memref<80xi32, #tpu.memory_space<vmem>>, vector<16xi32>,
      tpu.vector_store_idx %arg20[%and3A_382], %broadcast_in_dim3A_5 {add = true} : memref<10240xf32, #tpu.memory_space<vmem>>[vector<16xi32>], vector<16xf32>,
      %get3A_390 = arith.constant 48 : index
      %get3A_391 = tpu.vector_load %arg9[%get3A_390] {strides = array<i32>} : memref<80xi32, #tpu.memory_space<vmem>>, vector<16xi32>,
      %and3A_392 = arith.constant 16383 : i32
      %and3A_393 = vector.broadcast %and3A_392 : i32 to vector<16xi32>
      %and3A_394 = arith.andi %get3A_391, %and3A_393 : vector<16xi32>
      %shift_right_logical3A_395 = arith.constant 14 : i32
      %shift_right_logical3A_396 = vector.broadcast %shift_right_logical3A_395 : i32 to vector<16xi32>
      %shift_right_logical3A_397 = arith.shrui %get3A_391, %shift_right_logical3A_396 : vector<16xi32>
      %swap3A_398 = arith.constant 48 : index
      %swap3A_399 = tpu.vector_load %arg12[%swap3A_398] {strides = array<i32>} : memref<80xi32, #tpu.memory_space<vmem>>, vector<16xi32>,
      tpu.vector_store %arg12[%swap3A_398], %shift_right_logical3A_397 {strides = array<i32>} : memref<80xi32, #tpu.memory_space<vmem>>, vector<16xi32>,
      %swap3A_400 = arith.constant 48 : index
      %swap3A_401 = tpu.vector_load %arg15[%swap3A_400] {strides = array<i32>} : memref<80xi32, #tpu.memory_space<vmem>>, vector<16xi32>,
      tpu.vector_store %arg15[%swap3A_400], %and3A_394 {strides = array<i32>} : memref<80xi32, #tpu.memory_space<vmem>>, vector<16xi32>,
      tpu.vector_store_idx %arg20[%and3A_394], %broadcast_in_dim3A_5 {add = true} : memref<10240xf32, #tpu.memory_space<vmem>>[vector<16xi32>], vector<16xf32>,
      %get3A_402 = arith.constant 64 : index
      %get3A_403 = tpu.vector_load %arg9[%get3A_402] {strides = array<i32>} : memref<80xi32, #tpu.memory_space<vmem>>, vector<16xi32>,
      %and3A_404 = arith.constant 16383 : i32
      %and3A_405 = vector.broadcast %and3A_404 : i32 to vector<16xi32>
      %and3A_406 = arith.andi %get3A_403, %and3A_405 : vector<16xi32>
      %shift_right_logical3A_407 = arith.constant 14 : i32
      %shift_right_logical3A_408 = vector.broadcast %shift_right_logical3A_407 : i32 to vector<16xi32>
      %shift_right_logical3A_409 = arith.shrui %get3A_403, %shift_right_logical3A_408 : vector<16xi32>
      %swap3A_410 = arith.constant 64 : index
      %swap3A_411 = tpu.vector_load %arg12[%swap3A_410] {strides = array<i32>} : memref<80xi32, #tpu.memory_space<vmem>>, vector<16xi32>,
      tpu.vector_store %arg12[%swap3A_410], %shift_right_logical3A_409 {strides = array<i32>} : memref<80xi32, #tpu.memory_space<vmem>>, vector<16xi32>,
      %swap3A_412 = arith.constant 64 : index
      %swap3A_413 = tpu.vector_load %arg15[%swap3A_412] {strides = array<i32>} : memref<80xi32, #tpu.memory_space<vmem>>, vector<16xi32>,
      tpu.vector_store %arg15[%swap3A_412], %and3A_406 {strides = array<i32>} : memref<80xi32, #tpu.memory_space<vmem>>, vector<16xi32>,
      tpu.vector_store_idx %arg20[%and3A_406], %broadcast_in_dim3A_5 {add = true} : memref<10240xf32, #tpu.memory_space<vmem>>[vector<16xi32>], vector<16xf32>,
      %dma_start3A_414 = arith.constant 0 : i32
      %dma_start3A_415 = arith.constant 0 : i32
      %dma_start3A_416 = tpu.memref_slice %arg2[%dma_start3A_414, %dma_start3A_415] : memref<10000x128xf32, #tpu.memory_space<hbm>> -> memref<10000x128xf32, #tpu.memory_space<hbm>>
      tpu.enqueue_indirect_dma source(%dma_start3A_416 : memref<10000x128xf32, #tpu.memory_space<hbm>>) target(%arg18 : memref<80x128xf32, #tpu.memory_space<vmem>>) offsets(%arg12 : memref<80xi32, #tpu.memory_space<vmem>>) semaphore(%arg26 : memref<!tpu.dma_semaphore, #tpu.memory_space<semaphore_mem>>)
      %add3A_417 = arith.constant 6 : i32
      %add3A_418 = arith.addi %mul3A_266, %add3A_417 : i32
      %add3A_419 = arith.constant 1 : i32
      %add3A_420 = arith.addi %add3A_418, %add3A_419 : i32
      %mul3A_421 = arith.constant 80 : i32
      %mul3A_422 = arith.muli %add3A_420, %mul3A_421 : i32
      %add3A_423 = arith.addi %mul3A_4, %mul3A_422 : i32
      %multiple_of3A_424 = tpu.assume_multiple %add3A_423, 8 : i32
      %dma_start3A_425 = tpu.memref_slice %arg3[%multiple_of3A_424] : memref<322880xi32, #tpu.memory_space<hbm>> -> memref<80xi32, #tpu.memory_space<hbm>>
      %dma_start3A_426 = tpu.memref_slice %arg3[%multiple_of3A_424] : memref<322880xi32, #tpu.memory_space<hbm>> -> memref<80xi32, #tpu.memory_space<hbm>>
      tpu.enqueue_dma source(%dma_start3A_426 : memref<80xi32, #tpu.memory_space<hbm>>) target(%arg9 : memref<80xi32, #tpu.memory_space<vmem>>) target_semaphore(%arg23 : memref<!tpu.dma_semaphore, #tpu.memory_space<semaphore_mem>>)
      %dma_wait3A_427 = arith.constant 0 : i32
      %dma_wait3A_428 = arith.constant 0 : i32
      %dma_wait3A_429 = tpu.memref_slice %arg2[%dma_wait3A_427, %dma_wait3A_428] : memref<10000x128xf32, #tpu.memory_space<hbm>> -> memref<10000x128xf32, #tpu.memory_space<hbm>>
      tpu.wait_indirect_dma semaphore(%arg27 : memref<!tpu.dma_semaphore, #tpu.memory_space<semaphore_mem>>) src(%dma_wait3A_429 : memref<10000x128xf32, #tpu.memory_space<hbm>>) dst(%arg19 : memref<80x128xf32, #tpu.memory_space<vmem>>)
      "tpu.region"() ({
        %run_scoped3A = tpu.sem_alloc : memref<!tpu.dma_semaphore, #tpu.memory_space<semaphore_mem>>
        %dma_start3A_507 = arith.constant 0 : i32
        %dma_start3A_508 = arith.constant 0 : i32
        %dma_start3A_509 = tpu.memref_slice %arg21[%dma_start3A_507, %dma_start3A_508] : memref<10240x128xf32, #tpu.memory_space<vmem_shared>> -> memref<10240x128xf32, #tpu.memory_space<vmem_shared>>
        tpu.enqueue_indirect_dma source(%arg19 : memref<80x128xf32, #tpu.memory_space<vmem>>) target(%dma_start3A_509 : memref<10240x128xf32, #tpu.memory_space<vmem_shared>>) offsets(%arg16 : memref<80xi32, #tpu.memory_space<vmem>>) semaphore(%run_scoped3A : memref<!tpu.dma_semaphore, #tpu.memory_space<semaphore_mem>>) {add = true}
        %dma_wait3A_510 = arith.constant 0 : i32
        %dma_wait3A_511 = arith.constant 0 : i32
        %dma_wait3A_512 = tpu.memref_slice %arg21[%dma_wait3A_510, %dma_wait3A_511] : memref<10240x128xf32, #tpu.memory_space<vmem_shared>> -> memref<10240x128xf32, #tpu.memory_space<vmem_shared>>
        tpu.wait_indirect_dma semaphore(%run_scoped3A : memref<!tpu.dma_semaphore, #tpu.memory_space<semaphore_mem>>) src(%arg19 : memref<80x128xf32, #tpu.memory_space<vmem>>) dst(%dma_wait3A_512 : memref<10240x128xf32, #tpu.memory_space<vmem_shared>>)
        tpu.yield
      }) : () -> ()
      %dma_wait3A_430 = arith.constant 0 : i32
      %dma_wait3A_431 = tpu.memref_slice %arg3[%dma_wait3A_430] : memref<322880xi32, #tpu.memory_space<hbm>> -> memref<80xi32, #tpu.memory_space<hbm>>
      %dma_wait3A_432 = arith.constant 0 : i32
      %dma_wait3A_433 = tpu.memref_slice %arg3[%dma_wait3A_432] : memref<322880xi32, #tpu.memory_space<hbm>> -> memref<80xi32, #tpu.memory_space<hbm>>
      tpu.wait_dma2 semaphore(%arg24 : memref<!tpu.dma_semaphore, #tpu.memory_space<semaphore_mem>>) src(%dma_wait3A_433 : memref<80xi32, #tpu.memory_space<hbm>>) dst(%arg10 : memref<80xi32, #tpu.memory_space<vmem>>)
      %get3A_434 = arith.constant 0 : index
      %get3A_435 = tpu.vector_load %arg10[%get3A_434] {strides = array<i32>} : memref<80xi32, #tpu.memory_space<vmem>>, vector<16xi32>,
      %and3A_436 = arith.constant 16383 : i32
      %and3A_437 = vector.broadcast %and3A_436 : i32 to vector<16xi32>
      %and3A_438 = arith.andi %get3A_435, %and3A_437 : vector<16xi32>
      %shift_right_logical3A_439 = arith.constant 14 : i32
      %shift_right_logical3A_440 = vector.broadcast %shift_right_logical3A_439 : i32 to vector<16xi32>
      %shift_right_logical3A_441 = arith.shrui %get3A_435, %shift_right_logical3A_440 : vector<16xi32>
      %swap3A_442 = arith.constant 0 : index
      %swap3A_443 = tpu.vector_load %arg13[%swap3A_442] {strides = array<i32>} : memref<80xi32, #tpu.memory_space<vmem>>, vector<16xi32>,
      tpu.vector_store %arg13[%swap3A_442], %shift_right_logical3A_441 {strides = array<i32>} : memref<80xi32, #tpu.memory_space<vmem>>, vector<16xi32>,
      %swap3A_444 = arith.constant 0 : index
      %swap3A_445 = tpu.vector_load %arg16[%swap3A_444] {strides = array<i32>} : memref<80xi32, #tpu.memory_space<vmem>>, vector<16xi32>,
      tpu.vector_store %arg16[%swap3A_444], %and3A_438 {strides = array<i32>} : memref<80xi32, #tpu.memory_space<vmem>>, vector<16xi32>,
      tpu.vector_store_idx %arg20[%and3A_438], %broadcast_in_dim3A_5 {add = true} : memref<10240xf32, #tpu.memory_space<vmem>>[vector<16xi32>], vector<16xf32>,
      %get3A_446 = arith.constant 16 : index
      %get3A_447 = tpu.vector_load %arg10[%get3A_446] {strides = array<i32>} : memref<80xi32, #tpu.memory_space<vmem>>, vector<16xi32>,
      %and3A_448 = arith.constant 16383 : i32
      %and3A_449 = vector.broadcast %and3A_448 : i32 to vector<16xi32>
      %and3A_450 = arith.andi %get3A_447, %and3A_449 : vector<16xi32>
      %shift_right_logical3A_451 = arith.constant 14 : i32
      %shift_right_logical3A_452 = vector.broadcast %shift_right_logical3A_451 : i32 to vector<16xi32>
      %shift_right_logical3A_453 = arith.shrui %get3A_447, %shift_right_logical3A_452 : vector<16xi32>
      %swap3A_454 = arith.constant 16 : index
      %swap3A_455 = tpu.vector_load %arg13[%swap3A_454] {strides = array<i32>} : memref<80xi32, #tpu.memory_space<vmem>>, vector<16xi32>,
      tpu.vector_store %arg13[%swap3A_454], %shift_right_logical3A_453 {strides = array<i32>} : memref<80xi32, #tpu.memory_space<vmem>>, vector<16xi32>,
      %swap3A_456 = arith.constant 16 : index
      %swap3A_457 = tpu.vector_load %arg16[%swap3A_456] {strides = array<i32>} : memref<80xi32, #tpu.memory_space<vmem>>, vector<16xi32>,
      tpu.vector_store %arg16[%swap3A_456], %and3A_450 {strides = array<i32>} : memref<80xi32, #tpu.memory_space<vmem>>, vector<16xi32>,
      tpu.vector_store_idx %arg20[%and3A_450], %broadcast_in_dim3A_5 {add = true} : memref<10240xf32, #tpu.memory_space<vmem>>[vector<16xi32>], vector<16xf32>,
      %get3A_458 = arith.constant 32 : index
      %get3A_459 = tpu.vector_load %arg10[%get3A_458] {strides = array<i32>} : memref<80xi32, #tpu.memory_space<vmem>>, vector<16xi32>,
      %and3A_460 = arith.constant 16383 : i32
      %and3A_461 = vector.broadcast %and3A_460 : i32 to vector<16xi32>
      %and3A_462 = arith.andi %get3A_459, %and3A_461 : vector<16xi32>
      %shift_right_logical3A_463 = arith.constant 14 : i32
      %shift_right_logical3A_464 = vector.broadcast %shift_right_logical3A_463 : i32 to vector<16xi32>
      %shift_right_logical3A_465 = arith.shrui %get3A_459, %shift_right_logical3A_464 : vector<16xi32>
      %swap3A_466 = arith.constant 32 : index
      %swap3A_467 = tpu.vector_load %arg13[%swap3A_466] {strides = array<i32>} : memref<80xi32, #tpu.memory_space<vmem>>, vector<16xi32>,
      tpu.vector_store %arg13[%swap3A_466], %shift_right_logical3A_465 {strides = array<i32>} : memref<80xi32, #tpu.memory_space<vmem>>, vector<16xi32>,
      %swap3A_468 = arith.constant 32 : index
      %swap3A_469 = tpu.vector_load %arg16[%swap3A_468] {strides = array<i32>} : memref<80xi32, #tpu.memory_space<vmem>>, vector<16xi32>,
      tpu.vector_store %arg16[%swap3A_468], %and3A_462 {strides = array<i32>} : memref<80xi32, #tpu.memory_space<vmem>>, vector<16xi32>,
      tpu.vector_store_idx %arg20[%and3A_462], %broadcast_in_dim3A_5 {add = true} : memref<10240xf32, #tpu.memory_space<vmem>>[vector<16xi32>], vector<16xf32>,
      %get3A_470 = arith.constant 48 : index
      %get3A_471 = tpu.vector_load %arg10[%get3A_470] {strides = array<i32>} : memref<80xi32, #tpu.memory_space<vmem>>, vector<16xi32>,
      %and3A_472 = arith.constant 16383 : i32
      %and3A_473 = vector.broadcast %and3A_472 : i32 to vector<16xi32>
      %and3A_474 = arith.andi %get3A_471, %and3A_473 : vector<16xi32>
      %shift_right_logical3A_475 = arith.constant 14 : i32
      %shift_right_logical3A_476 = vector.broadcast %shift_right_logical3A_475 : i32 to vector<16xi32>
      %shift_right_logical3A_477 = arith.shrui %get3A_471, %shift_right_logical3A_476 : vector<16xi32>
      %swap3A_478 = arith.constant 48 : index
      %swap3A_479 = tpu.vector_load %arg13[%swap3A_478] {strides = array<i32>} : memref<80xi32, #tpu.memory_space<vmem>>, vector<16xi32>,
      tpu.vector_store %arg13[%swap3A_478], %shift_right_logical3A_477 {strides = array<i32>} : memref<80xi32, #tpu.memory_space<vmem>>, vector<16xi32>,
      %swap3A_480 = arith.constant 48 : index
      %swap3A_481 = tpu.vector_load %arg16[%swap3A_480] {strides = array<i32>} : memref<80xi32, #tpu.memory_space<vmem>>, vector<16xi32>,
      tpu.vector_store %arg16[%swap3A_480], %and3A_474 {strides = array<i32>} : memref<80xi32, #tpu.memory_space<vmem>>, vector<16xi32>,
      tpu.vector_store_idx %arg20[%and3A_474], %broadcast_in_dim3A_5 {add = true} : memref<10240xf32, #tpu.memory_space<vmem>>[vector<16xi32>], vector<16xf32>,
      %get3A_482 = arith.constant 64 : index
      %get3A_483 = tpu.vector_load %arg10[%get3A_482] {strides = array<i32>} : memref<80xi32, #tpu.memory_space<vmem>>, vector<16xi32>,
      %and3A_484 = arith.constant 16383 : i32
      %and3A_485 = vector.broadcast %and3A_484 : i32 to vector<16xi32>
      %and3A_486 = arith.andi %get3A_483, %and3A_485 : vector<16xi32>
      %shift_right_logical3A_487 = arith.constant 14 : i32
      %shift_right_logical3A_488 = vector.broadcast %shift_right_logical3A_487 : i32 to vector<16xi32>
      %shift_right_logical3A_489 = arith.shrui %get3A_483, %shift_right_logical3A_488 : vector<16xi32>
      %swap3A_490 = arith.constant 64 : index
      %swap3A_491 = tpu.vector_load %arg13[%swap3A_490] {strides = array<i32>} : memref<80xi32, #tpu.memory_space<vmem>>, vector<16xi32>,
      tpu.vector_store %arg13[%swap3A_490], %shift_right_logical3A_489 {strides = array<i32>} : memref<80xi32, #tpu.memory_space<vmem>>, vector<16xi32>,
      %swap3A_492 = arith.constant 64 : index
      %swap3A_493 = tpu.vector_load %arg16[%swap3A_492] {strides = array<i32>} : memref<80xi32, #tpu.memory_space<vmem>>, vector<16xi32>,
      tpu.vector_store %arg16[%swap3A_492], %and3A_486 {strides = array<i32>} : memref<80xi32, #tpu.memory_space<vmem>>, vector<16xi32>,
      tpu.vector_store_idx %arg20[%and3A_486], %broadcast_in_dim3A_5 {add = true} : memref<10240xf32, #tpu.memory_space<vmem>>[vector<16xi32>], vector<16xf32>,
      %dma_start3A_494 = arith.constant 0 : i32
      %dma_start3A_495 = arith.constant 0 : i32
      %dma_start3A_496 = tpu.memref_slice %arg2[%dma_start3A_494, %dma_start3A_495] : memref<10000x128xf32, #tpu.memory_space<hbm>> -> memref<10000x128xf32, #tpu.memory_space<hbm>>
      tpu.enqueue_indirect_dma source(%dma_start3A_496 : memref<10000x128xf32, #tpu.memory_space<hbm>>) target(%arg19 : memref<80x128xf32, #tpu.memory_space<vmem>>) offsets(%arg13 : memref<80xi32, #tpu.memory_space<vmem>>) semaphore(%arg27 : memref<!tpu.dma_semaphore, #tpu.memory_space<semaphore_mem>>)
      %add3A_497 = arith.constant 6 : i32
      %add3A_498 = arith.addi %mul3A_266, %add3A_497 : i32
      %add3A_499 = arith.constant 2 : i32
      %add3A_500 = arith.addi %add3A_498, %add3A_499 : i32
      %mul3A_501 = arith.constant 80 : i32
      %mul3A_502 = arith.muli %add3A_500, %mul3A_501 : i32
      %add3A_503 = arith.addi %mul3A_4, %mul3A_502 : i32
      %multiple_of3A_504 = tpu.assume_multiple %add3A_503, 8 : i32
      %dma_start3A_505 = tpu.memref_slice %arg3[%multiple_of3A_504] : memref<322880xi32, #tpu.memory_space<hbm>> -> memref<80xi32, #tpu.memory_space<hbm>>
      %dma_start3A_506 = tpu.memref_slice %arg3[%multiple_of3A_504] : memref<322880xi32, #tpu.memory_space<hbm>> -> memref<80xi32, #tpu.memory_space<hbm>>
      tpu.enqueue_dma source(%dma_start3A_506 : memref<80xi32, #tpu.memory_space<hbm>>) target(%arg10 : memref<80xi32, #tpu.memory_space<vmem>>) target_semaphore(%arg24 : memref<!tpu.dma_semaphore, #tpu.memory_space<semaphore_mem>>)
    }
    %scan3A_233 = arith.constant 41 : i32
    %dma_wait3A_234 = arith.constant 0 : i32
    %dma_wait3A_235 = arith.constant 0 : i32
    %dma_wait3A_236 = tpu.memref_slice %arg2[%dma_wait3A_234, %dma_wait3A_235] : memref<10000x128xf32, #tpu.memory_space<hbm>> -> memref<10000x128xf32, #tpu.memory_space<hbm>>
    tpu.wait_indirect_dma semaphore(%arg25 : memref<!tpu.dma_semaphore, #tpu.memory_space<semaphore_mem>>) src(%dma_wait3A_236 : memref<10000x128xf32, #tpu.memory_space<hbm>>) dst(%arg17 : memref<80x128xf32, #tpu.memory_space<vmem>>)
    "tpu.region"() ({
      %run_scoped3A = tpu.sem_alloc : memref<!tpu.dma_semaphore, #tpu.memory_space<semaphore_mem>>
      %dma_start3A_260 = arith.constant 0 : i32
      %dma_start3A_261 = arith.constant 0 : i32
      %dma_start3A_262 = tpu.memref_slice %arg21[%dma_start3A_260, %dma_start3A_261] : memref<10240x128xf32, #tpu.memory_space<vmem_shared>> -> memref<10240x128xf32, #tpu.memory_space<vmem_shared>>
      tpu.enqueue_indirect_dma source(%arg17 : memref<80x128xf32, #tpu.memory_space<vmem>>) target(%dma_start3A_262 : memref<10240x128xf32, #tpu.memory_space<vmem_shared>>) offsets(%arg14 : memref<80xi32, #tpu.memory_space<vmem>>) semaphore(%run_scoped3A : memref<!tpu.dma_semaphore, #tpu.memory_space<semaphore_mem>>) {add = true}
      %dma_wait3A_263 = arith.constant 0 : i32
      %dma_wait3A_264 = arith.constant 0 : i32
      %dma_wait3A_265 = tpu.memref_slice %arg21[%dma_wait3A_263, %dma_wait3A_264] : memref<10240x128xf32, #tpu.memory_space<vmem_shared>> -> memref<10240x128xf32, #tpu.memory_space<vmem_shared>>
      tpu.wait_indirect_dma semaphore(%run_scoped3A : memref<!tpu.dma_semaphore, #tpu.memory_space<semaphore_mem>>) src(%arg17 : memref<80x128xf32, #tpu.memory_space<vmem>>) dst(%dma_wait3A_265 : memref<10240x128xf32, #tpu.memory_space<vmem_shared>>)
      tpu.yield
    }) : () -> ()
    %dma_wait3A_237 = arith.constant 0 : i32
    %dma_wait3A_238 = tpu.memref_slice %arg3[%dma_wait3A_237] : memref<322880xi32, #tpu.memory_space<hbm>> -> memref<80xi32, #tpu.memory_space<hbm>>
    %dma_wait3A_239 = arith.constant 0 : i32
    %dma_wait3A_240 = tpu.memref_slice %arg3[%dma_wait3A_239] : memref<322880xi32, #tpu.memory_space<hbm>> -> memref<80xi32, #tpu.memory_space<hbm>>
    tpu.wait_dma2 semaphore(%arg22 : memref<!tpu.dma_semaphore, #tpu.memory_space<semaphore_mem>>) src(%dma_wait3A_240 : memref<80xi32, #tpu.memory_space<hbm>>) dst(%arg8 : memref<80xi32, #tpu.memory_space<vmem>>)
    %dma_wait3A_241 = arith.constant 0 : i32
    %dma_wait3A_242 = arith.constant 0 : i32
    %dma_wait3A_243 = tpu.memref_slice %arg2[%dma_wait3A_241, %dma_wait3A_242] : memref<10000x128xf32, #tpu.memory_space<hbm>> -> memref<10000x128xf32, #tpu.memory_space<hbm>>
    tpu.wait_indirect_dma semaphore(%arg26 : memref<!tpu.dma_semaphore, #tpu.memory_space<semaphore_mem>>) src(%dma_wait3A_243 : memref<10000x128xf32, #tpu.memory_space<hbm>>) dst(%arg18 : memref<80x128xf32, #tpu.memory_space<vmem>>)
    "tpu.region"() ({
      %run_scoped3A = tpu.sem_alloc : memref<!tpu.dma_semaphore, #tpu.memory_space<semaphore_mem>>
      %dma_start3A_260 = arith.constant 0 : i32
      %dma_start3A_261 = arith.constant 0 : i32
      %dma_start3A_262 = tpu.memref_slice %arg21[%dma_start3A_260, %dma_start3A_261] : memref<10240x128xf32, #tpu.memory_space<vmem_shared>> -> memref<10240x128xf32, #tpu.memory_space<vmem_shared>>
      tpu.enqueue_indirect_dma source(%arg18 : memref<80x128xf32, #tpu.memory_space<vmem>>) target(%dma_start3A_262 : memref<10240x128xf32, #tpu.memory_space<vmem_shared>>) offsets(%arg15 : memref<80xi32, #tpu.memory_space<vmem>>) semaphore(%run_scoped3A : memref<!tpu.dma_semaphore, #tpu.memory_space<semaphore_mem>>) {add = true}
      %dma_wait3A_263 = arith.constant 0 : i32
      %dma_wait3A_264 = arith.constant 0 : i32
      %dma_wait3A_265 = tpu.memref_slice %arg21[%dma_wait3A_263, %dma_wait3A_264] : memref<10240x128xf32, #tpu.memory_space<vmem_shared>> -> memref<10240x128xf32, #tpu.memory_space<vmem_shared>>
      tpu.wait_indirect_dma semaphore(%run_scoped3A : memref<!tpu.dma_semaphore, #tpu.memory_space<semaphore_mem>>) src(%arg18 : memref<80x128xf32, #tpu.memory_space<vmem>>) dst(%dma_wait3A_265 : memref<10240x128xf32, #tpu.memory_space<vmem_shared>>)
      tpu.yield
    }) : () -> ()
    %dma_wait3A_244 = arith.constant 0 : i32
    %dma_wait3A_245 = tpu.memref_slice %arg3[%dma_wait3A_244] : memref<322880xi32, #tpu.memory_space<hbm>> -> memref<80xi32, #tpu.memory_space<hbm>>
    %dma_wait3A_246 = arith.constant 0 : i32
    %dma_wait3A_247 = tpu.memref_slice %arg3[%dma_wait3A_246] : memref<322880xi32, #tpu.memory_space<hbm>> -> memref<80xi32, #tpu.memory_space<hbm>>
    tpu.wait_dma2 semaphore(%arg23 : memref<!tpu.dma_semaphore, #tpu.memory_space<semaphore_mem>>) src(%dma_wait3A_247 : memref<80xi32, #tpu.memory_space<hbm>>) dst(%arg9 : memref<80xi32, #tpu.memory_space<vmem>>)
    %dma_wait3A_248 = arith.constant 0 : i32
    %dma_wait3A_249 = arith.constant 0 : i32
    %dma_wait3A_250 = tpu.memref_slice %arg2[%dma_wait3A_248, %dma_wait3A_249] : memref<10000x128xf32, #tpu.memory_space<hbm>> -> memref<10000x128xf32, #tpu.memory_space<hbm>>
    tpu.wait_indirect_dma semaphore(%arg27 : memref<!tpu.dma_semaphore, #tpu.memory_space<semaphore_mem>>) src(%dma_wait3A_250 : memref<10000x128xf32, #tpu.memory_space<hbm>>) dst(%arg19 : memref<80x128xf32, #tpu.memory_space<vmem>>)
    "tpu.region"() ({
      %run_scoped3A = tpu.sem_alloc : memref<!tpu.dma_semaphore, #tpu.memory_space<semaphore_mem>>
      %dma_start3A_260 = arith.constant 0 : i32
      %dma_start3A_261 = arith.constant 0 : i32
      %dma_start3A_262 = tpu.memref_slice %arg21[%dma_start3A_260, %dma_start3A_261] : memref<10240x128xf32, #tpu.memory_space<vmem_shared>> -> memref<10240x128xf32, #tpu.memory_space<vmem_shared>>
      tpu.enqueue_indirect_dma source(%arg19 : memref<80x128xf32, #tpu.memory_space<vmem>>) target(%dma_start3A_262 : memref<10240x128xf32, #tpu.memory_space<vmem_shared>>) offsets(%arg16 : memref<80xi32, #tpu.memory_space<vmem>>) semaphore(%run_scoped3A : memref<!tpu.dma_semaphore, #tpu.memory_space<semaphore_mem>>) {add = true}
      %dma_wait3A_263 = arith.constant 0 : i32
      %dma_wait3A_264 = arith.constant 0 : i32
      %dma_wait3A_265 = tpu.memref_slice %arg21[%dma_wait3A_263, %dma_wait3A_264] : memref<10240x128xf32, #tpu.memory_space<vmem_shared>> -> memref<10240x128xf32, #tpu.memory_space<vmem_shared>>
      tpu.wait_indirect_dma semaphore(%run_scoped3A : memref<!tpu.dma_semaphore, #tpu.memory_space<semaphore_mem>>) src(%arg19 : memref<80x128xf32, #tpu.memory_space<vmem>>) dst(%dma_wait3A_265 : memref<10240x128xf32, #tpu.memory_space<vmem_shared>>)
      tpu.yield
    }) : () -> ()
    %dma_wait3A_251 = arith.constant 0 : i32
    %dma_wait3A_252 = tpu.memref_slice %arg3[%dma_wait3A_251] : memref<322880xi32, #tpu.memory_space<hbm>> -> memref<80xi32, #tpu.memory_space<hbm>>
    %dma_wait3A_253 = arith.constant 0 : i32
    %dma_wait3A_254 = tpu.memref_slice %arg3[%dma_wait3A_253] : memref<322880xi32, #tpu.memory_space<hbm>> -> memref<80xi32, #tpu.memory_space<hbm>>
    tpu.wait_dma2 semaphore(%arg24 : memref<!tpu.dma_semaphore, #tpu.memory_space<semaphore_mem>>) src(%dma_wait3A_254 : memref<80xi32, #tpu.memory_space<hbm>>) dst(%arg10 : memref<80xi32, #tpu.memory_space<vmem>>)
    %barrier3A_255 = arith.constant 0 : index
    tpu.barrier barrier_id(%barrier3A_255)
    %mul3A_256 = arith.constant 640 : i32
    %mul3A_257 = arith.muli %arg1, %mul3A_256 : i32
    %mul3A_258 = arith.constant 640 : i32
    %mul3A_259 = arith.muli %arg1, %mul3A_258 : i32
    "tpu.region"() ({
      %run_scoped3A = tpu.sem_alloc : memref<!tpu.dma_semaphore, #tpu.memory_space<semaphore_mem>>
      %dma_start3A_260 = arith.constant 0 : i32
      %dma_start3A_261 = tpu.memref_slice %arg6[%arg0, %mul3A_259, %dma_start3A_260] : memref<2x10240x128xf32, #tpu.memory_space<hbm>> -> memref<1x640x128xf32, #tpu.memory_space<hbm>>
      %dma_start3A_262 = tpu.memref_squeeze %dma_start3A_261 : memref<1x640x128xf32, #tpu.memory_space<hbm>> -> memref<640x128xf32, #tpu.memory_space<hbm>>
      %dma_start3A_263 = arith.constant 0 : i32
      %dma_start3A_264 = tpu.memref_slice %arg21[%mul3A_257, %dma_start3A_263] : memref<10240x128xf32, #tpu.memory_space<vmem_shared>> -> memref<640x128xf32, #tpu.memory_space<vmem_shared>>
      tpu.enqueue_dma source(%dma_start3A_264 : memref<640x128xf32, #tpu.memory_space<vmem_shared>>) target(%dma_start3A_262 : memref<640x128xf32, #tpu.memory_space<hbm>>) target_semaphore(%run_scoped3A : memref<!tpu.dma_semaphore, #tpu.memory_space<semaphore_mem>>)
      %dma_wait3A_265 = arith.constant 0 : i32
      %dma_wait3A_266 = tpu.memref_slice %arg6[%arg0, %mul3A_259, %dma_wait3A_265] : memref<2x10240x128xf32, #tpu.memory_space<hbm>> -> memref<1x640x128xf32, #tpu.memory_space<hbm>>
      %dma_wait3A_267 = tpu.memref_squeeze %dma_wait3A_266 : memref<1x640x128xf32, #tpu.memory_space<hbm>> -> memref<640x128xf32, #tpu.memory_space<hbm>>
      %dma_wait3A_268 = arith.constant 0 : i32
      %dma_wait3A_269 = tpu.memref_slice %arg21[%mul3A_257, %dma_wait3A_268] : memref<10240x128xf32, #tpu.memory_space<vmem_shared>> -> memref<640x128xf32, #tpu.memory_space<vmem_shared>>
      tpu.wait_dma2 semaphore(%run_scoped3A : memref<!tpu.dma_semaphore, #tpu.memory_space<semaphore_mem>>) src(%dma_wait3A_269 : memref<640x128xf32, #tpu.memory_space<vmem_shared>>) dst(%dma_wait3A_267 : memref<640x128xf32, #tpu.memory_space<hbm>>)
      tpu.yield
    }) : () -> ()
    "tpu.region"() ({
      %run_scoped3A = tpu.sem_alloc : memref<!tpu.dma_semaphore, #tpu.memory_space<semaphore_mem>>
      %dma_start3A_260 = arith.constant 0 : i32
      %dma_start3A_261 = tpu.memref_slice %arg7[%arg0, %arg1, %dma_start3A_260] : memref<2x16x10240xf32, #tpu.memory_space<hbm>> -> memref<1x1x10240xf32, #tpu.memory_space<hbm>>
      %dma_start3A_262 = tpu.memref_squeeze %dma_start3A_261 : memref<1x1x10240xf32, #tpu.memory_space<hbm>> -> memref<10240xf32, #tpu.memory_space<hbm>>
      %dma_start3A_263 = arith.constant 0 : i32
      %dma_start3A_264 = tpu.memref_slice %arg7[%arg0, %arg1, %dma_start3A_263] : memref<2x16x10240xf32, #tpu.memory_space<hbm>> -> memref<1x1x10240xf32, #tpu.memory_space<hbm>>
      %dma_start3A_265 = tpu.memref_squeeze %dma_start3A_264 : memref<1x1x10240xf32, #tpu.memory_space<hbm>> -> memref<10240xf32, #tpu.memory_space<hbm>>
      tpu.enqueue_dma source(%arg20 : memref<10240xf32, #tpu.memory_space<vmem>>) target(%dma_start3A_265 : memref<10240xf32, #tpu.memory_space<hbm>>) target_semaphore(%run_scoped3A : memref<!tpu.dma_semaphore, #tpu.memory_space<semaphore_mem>>)
      %dma_wait3A_266 = arith.constant 0 : i32
      %dma_wait3A_267 = tpu.memref_slice %arg7[%arg0, %arg1, %dma_wait3A_266] : memref<2x16x10240xf32, #tpu.memory_space<hbm>> -> memref<1x1x10240xf32, #tpu.memory_space<hbm>>
      %dma_wait3A_268 = tpu.memref_squeeze %dma_wait3A_267 : memref<1x1x10240xf32, #tpu.memory_space<hbm>> -> memref<10240xf32, #tpu.memory_space<hbm>>
      %dma_wait3A_269 = arith.constant 0 : i32
      %dma_wait3A_270 = tpu.memref_slice %arg7[%arg0, %arg1, %dma_wait3A_269] : memref<2x16x10240xf32, #tpu.memory_space<hbm>> -> memref<1x1x10240xf32, #tpu.memory_space<hbm>>
      %dma_wait3A_271 = tpu.memref_squeeze %dma_wait3A_270 : memref<1x1x10240xf32, #tpu.memory_space<hbm>> -> memref<10240xf32, #tpu.memory_space<hbm>>
      tpu.wait_dma2 semaphore(%run_scoped3A : memref<!tpu.dma_semaphore, #tpu.memory_space<semaphore_mem>>) src(%arg20 : memref<10240xf32, #tpu.memory_space<vmem>>) dst(%dma_wait3A_271 : memref<10240xf32, #tpu.memory_space<hbm>>)
      tpu.yield
    }) : () -> ()
    return
  }
}

module attributes {stable_mosaic.version = 14 : i64} {
  func.func @_prep_body(%arg0: i32, %arg1: memref<2000x128xf32, #tpu.memory_space<vmem>>, %arg2: memref<2000x128xf32, #tpu.memory_space<vmem>>, %arg3: memref<128x128xf32, #tpu.memory_space<vmem>>, %arg4: memref<128x128xf32, #tpu.memory_space<vmem>>, %arg5: memref<1x128xf32, #tpu.memory_space<vmem>>, %arg6: memref<2000x128xf32, #tpu.memory_space<vmem>>) attributes {dimension_semantics = [#tpu.dimension_semantics<arbitrary>], iteration_bounds = array<i64: 5>, scalar_prefetch = 0 : i64, scratch_operands = 0 : i64, tpu.core_type = #tpu.core_type<tc>, window_params = [{transform_indices = @transform_0, window_bounds = array<i64: 2000, 128>}, {transform_indices = @transform_1, window_bounds = array<i64: 2000, 128>}, {pipeline_mode = #tpu.pipeline_mode<synchronous>, transform_indices = @transform_2, window_bounds = array<i64: 128, 128>}, {pipeline_mode = #tpu.pipeline_mode<synchronous>, transform_indices = @transform_3, window_bounds = array<i64: 128, 128>}, {pipeline_mode = #tpu.pipeline_mode<synchronous>, transform_indices = @transform_4, window_bounds = array<i64: 1, 128>}, {transform_indices = @transform_5, window_bounds = array<i64: 2000, 128>}]} {
    %get3A = arith.constant 0 : index
    %get3A_0 = arith.constant 0 : index
    %get3A_1 = vector.load %arg1[%get3A, %get3A_0] : memref<2000x128xf32, #tpu.memory_space<vmem>>, vector<2000x128xf32>
    %get3A_2 = arith.constant 0 : index
    %get3A_3 = arith.constant 0 : index
    %get3A_4 = vector.load %arg3[%get3A_2, %get3A_3] : memref<128x128xf32, #tpu.memory_space<vmem>>, vector<128x128xf32>
    %dot_general3A = arith.constant dense<0.000000e+00> : vector<2000x128xf32>
    %dot_general3A_5 = tpu.matmul %get3A_1, %get3A_4, %dot_general3A {dimension_numbers = #tpu.dot_dimension_numbers<[1], [0], [0], [1], [0, 0, 1, 1], [], []>, transpose_lhs_hint = false} : vector<2000x128xf32>, vector<128x128xf32>, vector<2000x128xf32> -> vector<2000x128xf32>
    %get3A_6 = arith.constant 0 : index
    %get3A_7 = arith.constant 0 : index
    %get3A_8 = vector.load %arg2[%get3A_6, %get3A_7] : memref<2000x128xf32, #tpu.memory_space<vmem>>, vector<2000x128xf32>
    %get3A_9 = arith.constant 0 : index
    %get3A_10 = arith.constant 0 : index
    %get3A_11 = vector.load %arg4[%get3A_9, %get3A_10] : memref<128x128xf32, #tpu.memory_space<vmem>>, vector<128x128xf32>
    %dot_general3A_12 = arith.constant dense<0.000000e+00> : vector<2000x128xf32>
    %dot_general3A_13 = tpu.matmul %get3A_8, %get3A_11, %dot_general3A_12 {dimension_numbers = #tpu.dot_dimension_numbers<[1], [0], [0], [1], [0, 0, 1, 1], [], []>, transpose_lhs_hint = false} : vector<2000x128xf32>, vector<128x128xf32>, vector<2000x128xf32> -> vector<2000x128xf32>
    %add3A = arith.addf %dot_general3A_5, %dot_general3A_13 : vector<2000x128xf32>
    %get3A_14 = arith.constant 0 : index
    %get3A_15 = arith.constant 0 : index
    %get3A_16 = vector.load %arg5[%get3A_14, %get3A_15] : memref<1x128xf32, #tpu.memory_space<vmem>>, vector<1x128xf32>
    %add3A_17 = vector.broadcast %get3A_16 : vector<1x128xf32> to vector<2000x128xf32>
    %add3A_18 = arith.addf %add3A, %add3A_17 : vector<2000x128xf32>
    %swap3A = arith.constant 0 : index
    %swap3A_19 = arith.constant 0 : index
    %swap3A_20 = vector.load %arg6[%swap3A, %swap3A_19] : memref<2000x128xf32, #tpu.memory_space<vmem>>, vector<2000x128xf32>
    tpu.vector_store %arg6[%swap3A, %swap3A_19], %add3A_18 {strides = array<i32>} : memref<2000x128xf32, #tpu.memory_space<vmem>>, vector<2000x128xf32>,
    return
  }
  func.func @transform_0(%arg0: i32) -> (i32, i32) {
    %c0_i32 = arith.constant 0 : i32
    %c0_i32_0 = arith.constant 0 : i32
    return %arg0, %c0_i32 : i32, i32
  }
  func.func @transform_1(%arg0: i32) -> (i32, i32) {
    %c0_i32 = arith.constant 0 : i32
    %c0_i32_0 = arith.constant 0 : i32
    return %arg0, %c0_i32 : i32, i32
  }
  func.func @transform_2(%arg0: i32) -> (i32, i32) {
    %c0_i32 = arith.constant 0 : i32
    %c0_i32_0 = arith.constant 0 : i32
    %c0_i32_1 = arith.constant 0 : i32
    return %c0_i32, %c0_i32_0 : i32, i32
  }
  func.func @transform_3(%arg0: i32) -> (i32, i32) {
    %c0_i32 = arith.constant 0 : i32
    %c0_i32_0 = arith.constant 0 : i32
    %c0_i32_1 = arith.constant 0 : i32
    return %c0_i32, %c0_i32_0 : i32, i32
  }
  func.func @transform_4(%arg0: i32) -> (i32, i32) {
    %c0_i32 = arith.constant 0 : i32
    %c0_i32_0 = arith.constant 0 : i32
    %c0_i32_1 = arith.constant 0 : i32
    return %c0_i32, %c0_i32_0 : i32, i32
  }
  func.func @transform_5(%arg0: i32) -> (i32, i32) {
    %c0_i32 = arith.constant 0 : i32
    %c0_i32_0 = arith.constant 0 : i32
    return %arg0, %c0_i32 : i32, i32
  }
}

module attributes {stable_mosaic.version = 14 : i64} {
  func.func @_gru_body(%arg0: i32, %arg1: memref<2048x128xf32, #tpu.memory_space<vmem>>, %arg2: memref<2048x128xf32, #tpu.memory_space<vmem>>, %arg3: memref<2x2048x128xf32, #tpu.memory_space<vmem>>, %arg4: memref<2x16x2048xf32, #tpu.memory_space<vmem>>, %arg5: memref<128x384xf32, #tpu.memory_space<vmem>>, %arg6: memref<128x384xf32, #tpu.memory_space<vmem>>, %arg7: memref<128x384xf32, #tpu.memory_space<vmem>>, %arg8: memref<1x384xf32, #tpu.memory_space<vmem>>, %arg9: memref<1x384xf32, #tpu.memory_space<vmem>>, %arg10: memref<2048x128xf32, #tpu.memory_space<vmem>>) attributes {dimension_semantics = [#tpu.dimension_semantics<arbitrary>], iteration_bounds = array<i64: 5>, scalar_prefetch = 0 : i64, scratch_operands = 0 : i64, tpu.core_type = #tpu.core_type<tc>, window_params = [{transform_indices = @transform_0, window_bounds = array<i64: 2048, 128>}, {transform_indices = @transform_1, window_bounds = array<i64: 2048, 128>}, {transform_indices = @transform_2, window_bounds = array<i64: 2, 2048, 128>}, {transform_indices = @transform_3, window_bounds = array<i64: 2, 16, 2048>}, {pipeline_mode = #tpu.pipeline_mode<synchronous>, transform_indices = @transform_4, window_bounds = array<i64: 128, 384>}, {pipeline_mode = #tpu.pipeline_mode<synchronous>, transform_indices = @transform_5, window_bounds = array<i64: 128, 384>}, {pipeline_mode = #tpu.pipeline_mode<synchronous>, transform_indices = @transform_6, window_bounds = array<i64: 128, 384>}, {pipeline_mode = #tpu.pipeline_mode<synchronous>, transform_indices = @transform_7, window_bounds = array<i64: 1, 384>}, {pipeline_mode = #tpu.pipeline_mode<synchronous>, transform_indices = @transform_8, window_bounds = array<i64: 1, 384>}, {transform_indices = @transform_9, window_bounds = array<i64: 2048, 128>}]} {
    %get3A = arith.constant 0 : index
    %get3A_0 = arith.constant 0 : index
    %get3A_1 = arith.constant 0 : index
    %get3A_2 = vector.load %arg3[%get3A, %get3A_0, %get3A_1] : memref<2x2048x128xf32, #tpu.memory_space<vmem>>, vector<1x2048x128xf32>
    %get3A_3 = vector.shape_cast %get3A_2 : vector<1x2048x128xf32> to vector<2048x128xf32>
    %get3A_4 = arith.constant 1 : index
    %get3A_5 = arith.constant 0 : index
    %get3A_6 = arith.constant 0 : index
    %get3A_7 = vector.load %arg3[%get3A_4, %get3A_5, %get3A_6] : memref<2x2048x128xf32, #tpu.memory_space<vmem>>, vector<1x2048x128xf32>
    %get3A_8 = vector.shape_cast %get3A_7 : vector<1x2048x128xf32> to vector<2048x128xf32>
    %add3A = arith.addf %get3A_3, %get3A_8 : vector<2048x128xf32>
    %get3A_9 = arith.constant 0 : index
    %get3A_10 = arith.constant 0 : index
    %get3A_11 = arith.constant 0 : index
    %get3A_12 = vector.load %arg4[%get3A_9, %get3A_10, %get3A_11] : memref<2x16x2048xf32, #tpu.memory_space<vmem>>, vector<2x16x2048xf32>
    %reduce_sum3A = arith.constant dense<0.000000e+00> : vector<2048xf32>
    %reduce_sum3A_13 = vector.multi_reduction <add>, %get3A_12, %reduce_sum3A [0, 1] : vector<2x16x2048xf32> to vector<2048xf32>
    %max3A = arith.constant 1.000000e+00 : f32
    %max3A_14 = vector.broadcast %max3A : f32 to vector<2048xf32>
    %max3A_15 = arith.maximumf %reduce_sum3A_13, %max3A_14 : vector<2048xf32>
    %broadcast_in_dim3A = vector.shape_cast %max3A_15 : vector<2048xf32> to vector<2048x1xf32>
    %div3A = vector.broadcast %broadcast_in_dim3A : vector<2048x1xf32> to vector<2048x128xf32>
    %div3A_16 = arith.divf %add3A, %div3A : vector<2048x128xf32>
    %get3A_17 = arith.constant 0 : index
    %get3A_18 = arith.constant 0 : index
    %get3A_19 = vector.load %arg1[%get3A_17, %get3A_18] : memref<2048x128xf32, #tpu.memory_space<vmem>>, vector<2048x128xf32>
    %get3A_20 = arith.constant 0 : index
    %get3A_21 = arith.constant 0 : index
    %get3A_22 = vector.load %arg2[%get3A_20, %get3A_21] : memref<2048x128xf32, #tpu.memory_space<vmem>>, vector<2048x128xf32>
    %get3A_23 = arith.constant 0 : index
    %get3A_24 = arith.constant 0 : index
    %get3A_25 = vector.load %arg5[%get3A_23, %get3A_24] : memref<128x384xf32, #tpu.memory_space<vmem>>, vector<128x384xf32>
    %dot_general3A = arith.constant dense<0.000000e+00> : vector<2048x384xf32>
    %dot_general3A_26 = tpu.matmul %get3A_19, %get3A_25, %dot_general3A {dimension_numbers = #tpu.dot_dimension_numbers<[1], [0], [0], [1], [0, 0, 1, 1], [], []>, transpose_lhs_hint = false} : vector<2048x128xf32>, vector<128x384xf32>, vector<2048x384xf32> -> vector<2048x384xf32>
    %get3A_27 = arith.constant 0 : index
    %get3A_28 = arith.constant 0 : index
    %get3A_29 = vector.load %arg6[%get3A_27, %get3A_28] : memref<128x384xf32, #tpu.memory_space<vmem>>, vector<128x384xf32>
    %dot_general3A_30 = arith.constant dense<0.000000e+00> : vector<2048x384xf32>
    %dot_general3A_31 = tpu.matmul %div3A_16, %get3A_29, %dot_general3A_30 {dimension_numbers = #tpu.dot_dimension_numbers<[1], [0], [0], [1], [0, 0, 1, 1], [], []>, transpose_lhs_hint = false} : vector<2048x128xf32>, vector<128x384xf32>, vector<2048x384xf32> -> vector<2048x384xf32>
    %add3A_32 = arith.addf %dot_general3A_26, %dot_general3A_31 : vector<2048x384xf32>
    %get3A_33 = arith.constant 0 : index
    %get3A_34 = arith.constant 0 : index
    %get3A_35 = vector.load %arg8[%get3A_33, %get3A_34] : memref<1x384xf32, #tpu.memory_space<vmem>>, vector<1x384xf32>
    %add3A_36 = vector.broadcast %get3A_35 : vector<1x384xf32> to vector<2048x384xf32>
    %add3A_37 = arith.addf %add3A_32, %add3A_36 : vector<2048x384xf32>
    %get3A_38 = arith.constant 0 : index
    %get3A_39 = arith.constant 0 : index
    %get3A_40 = vector.load %arg7[%get3A_38, %get3A_39] : memref<128x384xf32, #tpu.memory_space<vmem>>, vector<128x384xf32>
    %dot_general3A_41 = arith.constant dense<0.000000e+00> : vector<2048x384xf32>
    %dot_general3A_42 = tpu.matmul %get3A_22, %get3A_40, %dot_general3A_41 {dimension_numbers = #tpu.dot_dimension_numbers<[1], [0], [0], [1], [0, 0, 1, 1], [], []>, transpose_lhs_hint = false} : vector<2048x128xf32>, vector<128x384xf32>, vector<2048x384xf32> -> vector<2048x384xf32>
    %get3A_43 = arith.constant 0 : index
    %get3A_44 = arith.constant 0 : index
    %get3A_45 = vector.load %arg9[%get3A_43, %get3A_44] : memref<1x384xf32, #tpu.memory_space<vmem>>, vector<1x384xf32>
    %add3A_46 = vector.broadcast %get3A_45 : vector<1x384xf32> to vector<2048x384xf32>
    %add3A_47 = arith.addf %dot_general3A_42, %add3A_46 : vector<2048x384xf32>
    %slice3A = vector.extract_strided_slice %add3A_37 {offsets = [0, 0], sizes = [2048, 128], strides = [1, 1]} : vector<2048x384xf32> to vector<2048x128xf32>
    %slice3A_48 = vector.extract_strided_slice %add3A_47 {offsets = [0, 0], sizes = [2048, 128], strides = [1, 1]} : vector<2048x384xf32> to vector<2048x128xf32>
    %add3A_49 = arith.addf %slice3A, %slice3A_48 : vector<2048x128xf32>
    %logistic3A = arith.negf %add3A_49 : vector<2048x128xf32>
    %logistic3A_50 = math.exp %logistic3A : vector<2048x128xf32>
    %logistic3A_51 = arith.constant 1.000000e+00 : f32
    %logistic3A_52 = vector.broadcast %logistic3A_51 : f32 to vector<2048x128xf32>
    %logistic3A_53 = arith.addf %logistic3A_52, %logistic3A_50 : vector<2048x128xf32>
    %logistic3A_54 = arith.divf %logistic3A_52, %logistic3A_53 : vector<2048x128xf32>
    %slice3A_55 = vector.extract_strided_slice %add3A_37 {offsets = [0, 128], sizes = [2048, 128], strides = [1, 1]} : vector<2048x384xf32> to vector<2048x128xf32>
    %slice3A_56 = vector.extract_strided_slice %add3A_47 {offsets = [0, 128], sizes = [2048, 128], strides = [1, 1]} : vector<2048x384xf32> to vector<2048x128xf32>
    %add3A_57 = arith.addf %slice3A_55, %slice3A_56 : vector<2048x128xf32>
    %logistic3A_58 = arith.negf %add3A_57 : vector<2048x128xf32>
    %logistic3A_59 = math.exp %logistic3A_58 : vector<2048x128xf32>
    %logistic3A_60 = arith.constant 1.000000e+00 : f32
    %logistic3A_61 = vector.broadcast %logistic3A_60 : f32 to vector<2048x128xf32>
    %logistic3A_62 = arith.addf %logistic3A_61, %logistic3A_59 : vector<2048x128xf32>
    %logistic3A_63 = arith.divf %logistic3A_61, %logistic3A_62 : vector<2048x128xf32>
    %slice3A_64 = vector.extract_strided_slice %add3A_37 {offsets = [0, 256], sizes = [2048, 128], strides = [1, 1]} : vector<2048x384xf32> to vector<2048x128xf32>
    %slice3A_65 = vector.extract_strided_slice %add3A_47 {offsets = [0, 256], sizes = [2048, 128], strides = [1, 1]} : vector<2048x384xf32> to vector<2048x128xf32>
    %mul3A = arith.mulf %logistic3A_54, %slice3A_65 : vector<2048x128xf32>
    %add3A_66 = arith.addf %slice3A_64, %mul3A : vector<2048x128xf32>
    %tanh3A = math.tanh %add3A_66 : vector<2048x128xf32>
    %sub3A = arith.constant 1.000000e+00 : f32
    %sub3A_67 = vector.broadcast %sub3A : f32 to vector<2048x128xf32>
    %sub3A_68 = arith.subf %sub3A_67, %logistic3A_63 : vector<2048x128xf32>
    %mul3A_69 = arith.mulf %sub3A_68, %tanh3A : vector<2048x128xf32>
    %mul3A_70 = arith.mulf %logistic3A_63, %get3A_22 : vector<2048x128xf32>
    %add3A_71 = arith.addf %mul3A_69, %mul3A_70 : vector<2048x128xf32>
    %swap3A = arith.constant 0 : index
    %swap3A_72 = arith.constant 0 : index
    %swap3A_73 = vector.load %arg10[%swap3A, %swap3A_72] : memref<2048x128xf32, #tpu.memory_space<vmem>>, vector<2048x128xf32>
    tpu.vector_store %arg10[%swap3A, %swap3A_72], %add3A_71 {strides = array<i32>} : memref<2048x128xf32, #tpu.memory_space<vmem>>, vector<2048x128xf32>,
    return
  }
  func.func @transform_0(%arg0: i32) -> (i32, i32) {
    %c0_i32 = arith.constant 0 : i32
    %c0_i32_0 = arith.constant 0 : i32
    return %arg0, %c0_i32 : i32, i32
  }
  func.func @transform_1(%arg0: i32) -> (i32, i32) {
    %c0_i32 = arith.constant 0 : i32
    %c0_i32_0 = arith.constant 0 : i32
    return %arg0, %c0_i32 : i32, i32
  }
  func.func @transform_2(%arg0: i32) -> (i32, i32, i32) {
    %c0_i32 = arith.constant 0 : i32
    %c0_i32_0 = arith.constant 0 : i32
    %c0_i32_1 = arith.constant 0 : i32
    return %c0_i32, %arg0, %c0_i32_0 : i32, i32, i32
  }
  func.func @transform_3(%arg0: i32) -> (i32, i32, i32) {
    %c0_i32 = arith.constant 0 : i32
    %c0_i32_0 = arith.constant 0 : i32
    %c0_i32_1 = arith.constant 0 : i32
    return %c0_i32, %c0_i32_0, %arg0 : i32, i32, i32
  }
  func.func @transform_4(%arg0: i32) -> (i32, i32) {
    %c0_i32 = arith.constant 0 : i32
    %c0_i32_0 = arith.constant 0 : i32
    %c0_i32_1 = arith.constant 0 : i32
    return %c0_i32, %c0_i32_0 : i32, i32
  }
  func.func @transform_5(%arg0: i32) -> (i32, i32) {
    %c0_i32 = arith.constant 0 : i32
    %c0_i32_0 = arith.constant 0 : i32
    %c0_i32_1 = arith.constant 0 : i32
    return %c0_i32, %c0_i32_0 : i32, i32
  }
  func.func @transform_6(%arg0: i32) -> (i32, i32) {
    %c0_i32 = arith.constant 0 : i32
    %c0_i32_0 = arith.constant 0 : i32
    %c0_i32_1 = arith.constant 0 : i32
    return %c0_i32, %c0_i32_0 : i32, i32
  }
  func.func @transform_7(%arg0: i32) -> (i32, i32) {
    %c0_i32 = arith.constant 0 : i32
    %c0_i32_0 = arith.constant 0 : i32
    %c0_i32_1 = arith.constant 0 : i32
    return %c0_i32, %c0_i32_0 : i32, i32
  }
  func.func @transform_8(%arg0: i32) -> (i32, i32) {
    %c0_i32 = arith.constant 0 : i32
    %c0_i32_0 = arith.constant 0 : i32
    %c0_i32_1 = arith.constant 0 : i32
    return %c0_i32, %c0_i32_0 : i32, i32
  }
  func.func @transform_9(%arg0: i32) -> (i32, i32) {
    %c0_i32 = arith.constant 0 : i32
    %c0_i32_0 = arith.constant 0 : i32
    return %arg0, %c0_i32 : i32, i32
  }
}

</mosaic_0001>

<sc_bundles>
// kernel: kernel.5.cloned.1.call-start
scs
__scs_entry_jumppad:
0x0: {  	(pc) =	sbr.rel $0x88, $3  }
0x1: {  	(tag) =	ssettag $0x0;
	lr =	simm.s32 $0x1  }
0x2: {  	[smem:$0x3F98] =	sst lr;
	_ =	strace $0xD0000000  }
0x3: {  	_ = 	snop  }
0x4: {  	_ = 	snop  }
0x5: {  	_ = 	snop  }
0x6: {  	_ = 	snop  }
0x7: {  	_ = 	snop  }
__scs_overlays_trampoline_lowered:
0x8: {  	[smem:$0x3FA7] =	sst s0  }
0x9: {  	[smem:$0x3FA8] =	sst s1  }
0xa: {  	[smem:$0x3FA9] =	sst s2  }
0xb: {  	[smem:$0x3FAA] =	sst s3  }
0xc: {  	[smem:$0x3FAB] =	sst s4  }
0xd: {  	[smem:$0x3FAC] =	sst s5  }
0xe: {  	[smem:$0x3FAD] =	sst s6  }
0xf: {  	[smem:$0x3FAE] =	sst s7  }
0x10: {  	[smem:$0x3FAF] =	sst s8  }
0x11: {  	[smem:$0x3FB0] =	sst s9;
	s0 =	simm.s32 @!p0 $0x0  }
0x12: {  	s1 =	sld [smem:$0x3F96];
	s0 =	simm.s32 @p0 $0x1  }
0x13: {  	[smem:$0x3FB1] =	sst s0;
	s0 =	simm.s32 @!p1 $0x0  }
0x14: {  	s2 =	sld [smem:$0x3F95];
	s0 =	simm.s32 @p1 $0x1  }
0x15: {  	[smem:$0x3FB2] =	sst s0;
	s0 =	simm.s32 @!p2 $0x0  }
0x16: {  	s3 =	sld [smem:$0x3FDB];
	s0 =	simm.s32 @p2 $0x1  }
0x17: {  	s4 =	simm.s32 $0x1BF5;
	[smem:$0x3FB4] =	sst s0  }
0x18: {  	s0 =	sld [smem:$0x3F97];
	_ =	swait.ge [sflag:s4], $0x0  }
0x19: {  	s7 =	sld [smem:$0x3F98]  }
0x1a: {  	s8 =	sadd.s32 $0xFFFFE003, lr  }
0x1b: {  	s9 =	sadd.s32 $0xFFFFFEF7, lr;
	s5 =	simm.s32 $0xFFFFFFFF;
	p2 =	slt.u32 s8, $0xFFFFF086  }
0x1c: {  	p1 =	slt.u32 s9, $0xF7A;
	s5 =	simm.s32 @!p2 $0x0  }
0x1d: {  	s5 =	simm.s32 @p1 $0x1;
	p0 =	seq.s32 s7, s2  }
0x1e: {  	s7 =	smul.u32 @!p0 $0xF7A, s2;
	p2 =	seq.s32 @!p0 s5, $0x0  }
0x1f: {  	s9 =	smul.u32 $0xF7A, s1;
	s8 =	simm.s32 @!p0 $0x1BF5;
	p2 =	por !p2, p0  }
0x20: {  	[sflag:s8] =	ssyncset.s32 @!p0 $0xFFFFF086;
	s6 =	sadd.s32 @!p0 s3, s7;
	s7 =	simm.s32 @!p0 $0x108  }
0x21: {  	s3 =	sadd.s32 s3, s9;
	s6 =	sadd.s32 @!p0 $0x88, s6;
	s7 =	simm.s32 @p2 $0x1082  }
0x22: {  	[simem:s7], [sflag:s8] =	dma.local @!p0 [hbm:s6], $0xF7A  }
0x23: {  	s9 =	sor.u32 $0xD0000000, s2;
	s6 =	simm.s32 $0x108;
	_ =	swait.ge @!p0 [sflag:s8], $0x0  }
0x24: {  	s3 =	sadd.s32 $0x88, s3;
	s6 =	simm.s32 @!p1 $0x1082;
	[sflag:s4] =	ssyncset.s32 $0xFFFFF086  }
0x25: {  	[simem:s6], [sflag:s4] =	dma.local [hbm:s3], $0xF7A  }
0x26: {  	[smem:$0x3F98] =	sst s1;
	(tag) =	ssettag s2;
	_ =	strace s9  }
0x27: {  	s1 =	sld [smem:$0x3FA8]  }
0x28: {  	s2 =	sld [smem:$0x3FA9]  }
0x29: {  	s4 =	sld [smem:$0x3FAB]  }
0x2a: {  	p0 =	seq.s32 s5, $0x0;
	s5 =	sld [smem:$0x3FAC]  }
0x2b: {  	s6 =	sld [smem:$0x3FAD]  }
0x2c: {  	s7 =	sld [smem:$0x3FAE]  }
0x2d: {  	s3 =	simm.s32 $0x108;
	s8 =	sld [smem:$0x3FAF]  }
0x2e: {  	s3 =	simm.s32 @!p0 $0x1082;
	s9 =	sld [smem:$0x3FB0]  }
0x2f: {  	lr =	sadd.s32 s0, s3;
	s0 =	sld [smem:$0x3FA7]  }
0x30: {  	s3 =	sld [smem:$0x3FAA]  }
0x31: {  	[smem:$0x3FB3] =	sst s10  }
0x32: {  	s10 =	sld [smem:$0x3FB1];
	_ =	sdelay $0x3  }
0x33: {  	p0 =	seq.s32 s10, $0x1;
	s10 =	sld [smem:$0x3FB3];
	_ =	sdelay $0x3  }
0x34: {  	[smem:$0x3FB3] =	sst s10  }
0x35: {  	s10 =	sld [smem:$0x3FB2];
	_ =	sdelay $0x3  }
0x36: {  	p1 =	seq.s32 s10, $0x1;
	s10 =	sld [smem:$0x3FB3];
	_ =	sdelay $0x3  }
0x37: {  	[smem:$0x3FB3] =	sst s10  }
0x38: {  	s10 =	sld [smem:$0x3FB4]  }
0x39: {  	_ = 	snop;
	(pc) =	sbr.ind lr, $3  }
0x3a: {  	_ = 	snop  }
0x3b: {  	_ = 	snop  }
0x3c: {  	p2 =	seq.s32 s10, $0x1;
	s10 =	sld [smem:$0x3FB3]  }
0x3d: {  	_ =	shalt  }
0x3e: {  	_ =	shalt  }
0x3f: {  	_ =	shalt  }
0x40: {  	_ =	shalt  }
0x41: {  	_ =	shalt  }
0x42: {  	_ =	shalt  }
0x43: {  	_ =	shalt  }
0x44: {  	_ =	shalt  }
0x45: {  	_ =	shalt  }
0x46: {  	_ =	shalt  }
0x47: {  	_ =	shalt  }
0x48: {  	_ =	shalt  }
0x49: {  	_ =	shalt  }
0x4a: {  	_ =	shalt  }
0x4b: {  	_ =	shalt  }
0x4c: {  	_ =	shalt  }
0x4d: {  	_ =	shalt  }
0x4e: {  	_ =	shalt  }
0x4f: {  	_ =	shalt  }
0x50: {  	_ =	shalt  }
0x51: {  	_ =	shalt  }
0x52: {  	_ =	shalt  }
0x53: {  	_ =	shalt  }
0x54: {  	_ =	shalt  }
0x55: {  	_ =	shalt  }
0x56: {  	_ =	shalt  }
0x57: {  	_ =	shalt  }
0x58: {  	_ =	shalt  }
0x59: {  	_ =	shalt  }
0x5a: {  	_ =	shalt  }
0x5b: {  	_ =	shalt  }
0x5c: {  	_ =	shalt  }
0x5d: {  	_ =	shalt  }
0x5e: {  	_ =	shalt  }
0x5f: {  	_ =	shalt  }
0x60: {  	_ =	shalt  }
0x61: {  	_ =	shalt  }
0x62: {  	_ =	shalt  }
0x63: {  	_ =	shalt  }
0x64: {  	_ =	shalt  }
0x65: {  	_ =	shalt  }
0x66: {  	_ =	shalt  }
0x67: {  	_ =	shalt  }
0x68: {  	_ =	shalt  }
0x69: {  	_ =	shalt  }
0x6a: {  	_ =	shalt  }
0x6b: {  	_ =	shalt  }
0x6c: {  	_ =	shalt  }
0x6d: {  	_ =	shalt  }
0x6e: {  	_ =	shalt  }
0x6f: {  	_ =	shalt  }
0x70: {  	_ =	shalt  }
0x71: {  	_ =	shalt  }
0x72: {  	_ =	shalt  }
0x73: {  	_ =	shalt  }
0x74: {  	_ =	shalt  }
0x75: {  	_ =	shalt  }
0x76: {  	_ =	shalt  }
0x77: {  	_ =	shalt  }
0x78: {  	_ =	shalt  }
0x79: {  	_ =	shalt  }
0x7a: {  	_ =	shalt  }
0x7b: {  	_ =	shalt  }
0x7c: {  	_ =	shalt  }
0x7d: {  	_ =	shalt  }
0x7e: {  	_ =	shalt  }
0x7f: {  	_ =	shalt  }
0x80: {  	_ =	shalt  }
0x81: {  	_ =	shalt  }
0x82: {  	_ =	shalt  }
0x83: {  	_ =	shalt  }
0x84: {  	_ =	shalt  }
0x85: {  	_ =	shalt  }
0x86: {  	_ =	shalt  }
0x87: {  	_ =	shalt  }
.Lfunc_end0:
.L_simem_size_0:
called_computation_lowered:
.L_overlay_start_0:
0x88: {  	s2 =	sld [smem:$0x3FD9]  }
0x89: {  	s3 =	sld [smem:$0x3FFE];
	_ =	sdelay $0x1  }
0x8a: {  	s1 =	srdreg.scid  }
0x8b: {  	s0 =	sand.u32 $0x1, s1  }
0x8c: {  	s17 =	sshll.u32 s0, $0xA;
	s2 =	sadd.s32 s3, s2  }
0x8d: {  	s2 =	sadd.s32 s2, s17  }
0x8e: {  	[smem:$0x3FBF] =	sst s2  }
0x8f: {  	_ = 	snop  }
0x90: {  	s2 =	sld [smem:$0x3FD0];
	(tm) =	ssettm $0x1  }
0x91: {  	s18 =	sld [smem:$0x3FFB];
	_ =	sdelay $0x3  }
0x92: {  	_ =	strace s18  }
0x93: {  	s3 =	sld [smem:$0x3FFC];
	_ =	sdelay $0x3  }
0x94: {  	_ =	strace s3  }
0x95: {  	s3 =	sld [smem:$0x3FFD];
	_ =	sdelay $0x3  }
0x96: {  	_ =	strace s3  }
0x97: {  	_ =	strace $0x8FFFFFFF  }
0x98: {  	s19 =	sld [smem:$0x3FDB];
	_ =	sdelay $0x1  }
0x99: {  	s4 =	simm.s32 $_scs_section_size  }
0x9a: {  	s5 =	simm.s32 $_size__tile_overlayer_lowered;
	s6 =	simm.s32 $_tile_overlayer_lowered  }
0x9b: {  	s22 =	simm.s32 $0x1BFF;
	s21 =	sshll.u32 s6, $0x1;
	s3 =	sadd.s32 s4, s19  }
0x9c: {  	s7 =	simm.s32 $0x0;
	s20 =	sshll.u32 s5, $0x1;
	s5 =	sadd.s32 s21, s3  }
0x9d: {  	[timem:s7], [sflag:s22] =	dma.local [hbm:s5], s20  }
0x9e: {  	_ =	swait.ge [sflag:s22], s20  }
0x9f: {  	s4 =	ssub.s32 $0x0, s20;
	[sflag:s22] =	ssyncset.done $0x0  }
0xa0: {  	[sflag:s22] =	ssyncadd.s32 s4;
	_ =	sdelay $0x1  }
0xa1: {  	s23 =	simm.s32 $0x1B8B  }
0xa2: {  	_ =	swait.ge [sflag:s23], $0x1  }
0xa3: {  	[sflag:s23] =	ssyncset.done $0x0  }
0xa4: {  	s25 =	simm.s32 $0x1B8E;
	s24 =	sld [smem:$0x3FFE];
	[sflag:s23] =	ssyncadd.s32 $0xFFFFFFFF  }
0xa5: {  	s26 =	simm.s32 $execute0_lowered;
	[smem:$0x3FD2] =	sst s25  }
0xa6: {  	s5 =	sshll.u32 s26, $0x1;
	_ =	strace $0x80000046;
	[dreg:$0x1] =	wrdreg $0xFFFFFFFF  }
0xa7: {  	s28 =	simm.s32 $_size_execute0_lowered;
	s3 =	sadd.s32 s3, s5;
	[dreg:$0x0] =	wrdreg $0x0  }
0xa8: {  	s5 =	sshll.u32 s28, $0x1;
	[dreg:$0x2] =	wrdreg s3  }
0xa9: {  	[dreg:$0x3] =	wrdreg s5  }
0xaa: {  	[dreg:$0x4] =	wrdreg $0xC0  }
0xab: {  	_ =	task [dreg:s7], $0x5FFFF  }
0xac: {  	[dreg:$0x1] =	wrdreg $0xFFFFFFFF  }
0xad: {  	[dreg:$0x0] =	wrdreg $0x60  }
0xae: {  	[dreg:$0x2] =	wrdreg s2  }
0xaf: {  	[dreg:$0x3] =	wrdreg s24  }
0xb0: {  	[dreg:$0x4] =	wrdreg $0xA4800  }
0xb1: {  	[dreg:$0x5] =	wrdreg $0x9  }
0xb2: {  	_ =	task.clear_ibuf [dreg:s7], $0x6FFFF;
	_ =	strace $0x90000046  }
0xb3: {  	s29 =	simm.s32 $0x9;
	_ =	strace $0x80000048  }
0xb4: {  	_ =	swait.ge [sflag:s29], $0x1  }
0xb5: {  	[sflag:s29] =	ssyncadd.s32 $0xFFFFFFFF  }
0xb6: {  	_ =	strace $0x90000048  }
0xb7: {  	_ =	sfence  }
0xb8: {  	s30 =	sld [smem:$0x0];
	_ =	sdelay $0x2  }
0xb9: {  	s31 =	sshll.u32 s1, $0xD;
	s1 =	sshrl.u32 s1, $0x2  }
0xba: {  	s3 =	sand.u32 $0x4000, s31;
	s1 =	sadd.s32 s1, s30  }
0xbb: {  	s0 =	sor.u32 s3, s0;
	s1 =	sshll.u32 s1, $0x11  }
0xbc: {  	s0 =	sor.u32 s1, s0  }
0xbd: {  	s0 =	sadd.s32 $0x8F2B, s0  }
0xbe: {  	[sflag:s0] =	ssyncadd.remote.s32 $0x1  }
0xbf: {  	_ =	sfence.sel $0xFFFF  }
0xc0: {  	[dreg:$0x0] =	wrdreg $0xFFFFFFFF;
	(pc) =	sbr.abs _section_cstart, $3  }
0xc1: {  	[dreg:$0x1] =	wrdreg $0xFFFFFFFF  }
0xc2: {  	_ =	task.clear_ibuf [dreg:s7], $0x2FFFF;
	_ =	strace $0x9FFFFFFF  }
0xc3: {  	(tm) =	ssettm $0x7FFFFFFF  }
tec
execute0_lowered:
.L_overlay_start_1:
0x0: {  	(tag) =	ssettag $0x1  }
0x1: {  	s1 =	rddreg [dreg:$0x0]  }
0x2: {  	s0 =	rddreg [dreg:$0x1]  }
0x3: {  	s2 =	rddreg [dreg:$0x2];
	s3 =	srdreg.scid;
	s4 =	simm.s32 $0x0  }
0x4: {  	s12 =	stileid.u32;
	s28 =	simm.s32 $0x480;
	s29 =	simm.s32 $0x2  }
0x5: {  	s30 =	simm.s32 $0x200;
	s31 =	simm.s32 $0x2C80;
	s6 =	smul.u32 $0x14000, s12  }
0x6: {  	s3 =	sand.u32 $0x1, s3;
	[smem:$0x7FF] =	sst s4;
	s26 =	smul.u32 $0x50000, s12  }
0x7: {  	s8 =	sshrl.u32 s12, $0x3;
	s9 =	sadd.s32 $0x2200, s0;
	s16 =	smul.u32 $0x2760, s12  }
0x8: {  	s10 =	sadd.s32 $0xC000, s0;
	s22 =	sadd.s32 $0xE800, s0;
	s5 =	smul.u32 $0x140000, s3  }
0x9: {  	s23 =	sshll.u32 s12, $0x7;
	s15 =	sshll.u32 s12, $0x6;
	s7 =	smul.u32 $0x28000, s3  }
0xa: {  	_ =	strace $0x80000047;
	[dreg:$0x5] =	wrdreg s10;
	s8 =	smul.u32 $0x14000, s8  }
0xb: {  	[dreg:$0x6] =	wrdreg s22;
	s24 =	sshll.u32 s3, $0x4;
	s25 =	ssub.s32 $0x2, s3  }
0xc: {  	s3 =	smul.u32 $0x27600, s3;
	s11 =	sshrl.u32 s25, $0x1;
	s14 =	sshrl.u32 s26, $0x2  }
0xd: {  	s5 =	sadd.s32 s6, s5;
	s7 =	sadd.s32 s7, s8;
	s6 =	sand.u32 $0x380, s23  }
0xe: {  	s13 =	ssub.s32 s25, s11;
	s10 =	sadd.s32 s14, s2;
	s8 =	sor.u32 $0x1C07, s15  }
0xf: {  	s3 =	sadd.s32 s16, s3;
	s11 =	simm.s32 $0x380;
	s14 =	simm.s32 $0x0  }
0x10: {  	s5 =	sshrl.u32 s5, $0x3;
	s6 =	sor.u32 s6, s7;
	s7 =	sor.u32 s12, s24  }
0x11: {  	s22 =	sadd.s32 $0x280, s3;
	s23 =	smax.u32 s13, $0x1;
	s25 =	sadd.s32 $0x230, s3  }
0x12: {  	s3 =	sadd.s32 $0x1E0, s3;
	s12 =	simm.s32 $0x6;
	s13 =	simm.s32 $0x400  }
0x13: {  	s5 =	sadd.s32 s5, s0;
	s6 =	sshrl.u32 s6, $0x3;
	s7 =	smul.u32 $0x2760, s7  }
0x14: {  	[dreg:$0xe] =	wrdreg s23;
	s24 =	sshrl.u32 s22, $0x3;
	s26 =	sshrl.u32 s25, $0x3  }
0x15: {  	s3 =	sshrl.u32 s3, $0x3;
	s0 =	sadd.s32 s6, s0;
	s5 =	sadd.s32 $0xEE00, s5  }
0x16: {  	s7 =	sshrl.u32 s7, $0x3;
	[dreg:$0xc] =	wrdreg s5;
	s0 =	sadd.s32 $0x5EE00, s0  }
0x17: {  	s7 =	sadd.s32 s9, s7;
	[dreg:$0xd] =	wrdreg s0;
	s0 =	sadd.s32 s24, s9  }
0x18: {  	s22 =	simm.s32 $0x80;
	s17 =	sadd.s32 $0xA, s7;
	[dreg:$0x4] =	wrdreg s0  }
0x19: {  	s23 =	simm.s32 $0x100;
	s18 =	sadd.s32 $0x14, s7;
	[dreg:$0x7] =	wrdreg s17  }
0x1a: {  	s25 =	simm.s32 $0x50;
	s19 =	sadd.s32 $0x1E, s7;
	[dreg:$0x8] =	wrdreg s18  }
0x1b: {  	s6 =	simm.s32 $0x4;
	s20 =	sadd.s32 $0x28, s7;
	[dreg:$0x9] =	wrdreg s19  }
0x1c: {  	s5 =	simm.s32 $0x5480;
	s21 =	sadd.s32 $0x32, s7;
	[dreg:$0xa] =	wrdreg s20  }
0x1d: {  	s24 =	simm.s32 $0x1;
	s0 =	simm.s32 $0x3;
	[dreg:$0xb] =	wrdreg s21  }
0x1e: {  	s17 =	sadd.s32 s26, s9;
	s18 =	sadd.s32 s3, s9;
	s19 =	sshrl.u32 s10, $0x3  }
0x1f: {  	s20 =	simm.s32 $0x7;
	s21 =	simm.s32 $0x7C80;
	s26 =	simm.s32 $0x180  }
0x20: {  	v0 =	vimm.f32 $1.000000000e+00;
	s3 =	simm.s32 $0x280;
	s9 =	simm.s32 $0x300;
	s10 =	simm.s32 $0x5  }
.LBB2_1:
0x21: {  	s15 =	rddreg [dreg:$0x5]  }
0x22: {  	[spmem:s19], [sflag:s8] =	dma.local [hbm:s15], $0x2800  }
0x23: {  	_ =	swait.ge [sflag:s20], $0x2800  }
0x24: {  	[sflag:s20] =	ssyncset.done $0x0  }
0x25: {  	s16 =	rddreg [dreg:$0x6];
	[sflag:s20] =	ssyncadd.s32 $0xFFFFD800  }
0x26: {  	[tilespmem:s21], [sflag:$0x7] =	stream.linear.gather [hbm4b:s16+s4], $0x2800, $0x38;
	[tilespmem:$0x1E480] =	vst v63  }
0x27: {  	_ =	swait.ge [sflag:s20], $0x2800  }
0x28: {  	[sflag:s20] =	ssyncset.done $0x0  }
0x29: {  	[sflag:s20] =	ssyncadd.s32 $0xFFFFD800  }
0x2a: {  	[bflag:$0x0] =	sbarrier.arrive $0xFFFF  }
0x2b: {  	[tilespmem:s4], [sflag:$0x1] =	stream.linear.gather [hbm4b:s7+s4], $0x50, $0x38;
	[tilespmem:$0x1E480] =	vst v63  }
0x2c: {  	s16 =	rddreg [dreg:$0x7]  }
0x2d: {  	[tilespmem:s22], [sflag:$0x2] =	stream.linear.gather [hbm4b:s16+s4], $0x50, $0x38;
	[tilespmem:$0x1E480] =	vst v63  }
0x2e: {  	s16 =	rddreg [dreg:$0x8]  }
0x2f: {  	[tilespmem:s23], [sflag:$0x3] =	stream.linear.gather [hbm4b:s16+s4], $0x50, $0x38;
	[tilespmem:$0x1E480] =	vst v63  }
0x30: {  	_ =	swait.ge [sflag:s24], $0x50  }
0x31: {  	[sflag:s24] =	ssyncset.done $0x0  }
0x32: {  	[sflag:s24] =	ssyncadd.s32 $0xFFFFFFB0  }
0x33: {  	v1 =	vld [tilespmem:$0x0];
	_ =	sdelay $0x4  }
0x34: {  	v2 =	vand.u32 $0x3FFF, v1;
	_ =	sdelay $0x1  }
0x35: {  	v1 =	vshrl.u32 v1, $0xE  }
0x36: {  	[tilespmem:$0x180] =	vst v1  }
0x37: {  	[tilespmem:$0x300] =	vst v2  }
0x38: {  	[tilespmem:v2+s21+$0x0] =	vst.idx.add.f32.msk $0xffff, v0  }
0x39: {  	v1 =	vld [tilespmem:$0x10];
	_ =	sdelay $0x4  }
0x3a: {  	v2 =	vand.u32 $0x3FFF, v1;
	_ =	sdelay $0x1  }
0x3b: {  	v1 =	vshrl.u32 v1, $0xE  }
0x3c: {  	[tilespmem:$0x190] =	vst v1  }
0x3d: {  	[tilespmem:$0x310] =	vst v2  }
0x3e: {  	[tilespmem:v2+s21+$0x0] =	vst.idx.add.f32.msk $0xffff, v0  }
0x3f: {  	v1 =	vld [tilespmem:$0x20];
	_ =	sdelay $0x4  }
0x40: {  	v2 =	vand.u32 $0x3FFF, v1;
	_ =	sdelay $0x1  }
0x41: {  	v1 =	vshrl.u32 v1, $0xE  }
0x42: {  	[tilespmem:$0x1A0] =	vst v1  }
0x43: {  	[tilespmem:$0x320] =	vst v2  }
0x44: {  	[tilespmem:v2+s21+$0x0] =	vst.idx.add.f32.msk $0xffff, v0  }
0x45: {  	v1 =	vld [tilespmem:$0x30];
	_ =	sdelay $0x4  }
0x46: {  	v2 =	vand.u32 $0x3FFF, v1;
	_ =	sdelay $0x1  }
0x47: {  	v1 =	vshrl.u32 v1, $0xE  }
0x48: {  	[tilespmem:$0x1B0] =	vst v1  }
0x49: {  	[tilespmem:$0x330] =	vst v2  }
0x4a: {  	[tilespmem:v2+s21+$0x0] =	vst.idx.add.f32.msk $0xffff, v0  }
0x4b: {  	v1 =	vld [tilespmem:$0x40];
	_ =	sdelay $0x4  }
0x4c: {  	v2 =	vand.u32 $0x3FFF, v1;
	_ =	sdelay $0x1  }
0x4d: {  	v1 =	vshrl.u32 v1, $0xE  }
0x4e: {  	[tilespmem:$0x1C0] =	vst v1  }
0x4f: {  	[tilespmem:$0x340] =	vst v2  }
0x50: {  	[tilespmem:v2+s21+$0x0] =	vst.idx.add.f32.msk $0xffff, v0  }
0x51: {  	[tilespmem:s28], [sflag:$0x4] =	stream.indirect.gather [hbm4b:s1+s25], $0x80, s26, s25, $0xb8;
	[tilespmem:$0x1E480] =	vst v63  }
0x52: {  	s16 =	rddreg [dreg:$0x9]  }
0x53: {  	[tilespmem:s4], [sflag:$0x1] =	stream.linear.gather [hbm4b:s16+s4], $0x50, $0x38;
	[tilespmem:$0x1E480] =	vst v63  }
0x54: {  	_ =	swait.ge [sflag:s29], $0x50  }
0x55: {  	[sflag:s29] =	ssyncset.done $0x0  }
0x56: {  	[sflag:s29] =	ssyncadd.s32 $0xFFFFFFB0  }
0x57: {  	v1 =	vld [tilespmem:$0x80];
	_ =	sdelay $0x4  }
0x58: {  	v2 =	vand.u32 $0x3FFF, v1;
	_ =	sdelay $0x1  }
0x59: {  	v1 =	vshrl.u32 v1, $0xE  }
0x5a: {  	[tilespmem:$0x200] =	vst v1  }
0x5b: {  	[tilespmem:$0x380] =	vst v2  }
0x5c: {  	[tilespmem:v2+s21+$0x0] =	vst.idx.add.f32.msk $0xffff, v0  }
0x5d: {  	v1 =	vld [tilespmem:$0x90];
	_ =	sdelay $0x4  }
0x5e: {  	v2 =	vand.u32 $0x3FFF, v1;
	_ =	sdelay $0x1  }
0x5f: {  	v1 =	vshrl.u32 v1, $0xE  }
0x60: {  	[tilespmem:$0x210] =	vst v1  }
0x61: {  	[tilespmem:$0x390] =	vst v2  }
0x62: {  	[tilespmem:v2+s21+$0x0] =	vst.idx.add.f32.msk $0xffff, v0  }
0x63: {  	v1 =	vld [tilespmem:$0xA0];
	_ =	sdelay $0x4  }
0x64: {  	v2 =	vand.u32 $0x3FFF, v1;
	_ =	sdelay $0x1  }
0x65: {  	v1 =	vshrl.u32 v1, $0xE  }
0x66: {  	[tilespmem:$0x220] =	vst v1  }
0x67: {  	[tilespmem:$0x3A0] =	vst v2  }
0x68: {  	[tilespmem:v2+s21+$0x0] =	vst.idx.add.f32.msk $0xffff, v0  }
0x69: {  	v1 =	vld [tilespmem:$0xB0];
	_ =	sdelay $0x4  }
0x6a: {  	v2 =	vand.u32 $0x3FFF, v1;
	_ =	sdelay $0x1  }
0x6b: {  	v1 =	vshrl.u32 v1, $0xE  }
0x6c: {  	[tilespmem:$0x230] =	vst v1  }
0x6d: {  	[tilespmem:$0x3B0] =	vst v2  }
0x6e: {  	[tilespmem:v2+s21+$0x0] =	vst.idx.add.f32.msk $0xffff, v0  }
0x6f: {  	v1 =	vld [tilespmem:$0xC0];
	_ =	sdelay $0x4  }
0x70: {  	v2 =	vand.u32 $0x3FFF, v1;
	_ =	sdelay $0x1  }
0x71: {  	v1 =	vshrl.u32 v1, $0xE  }
0x72: {  	[tilespmem:$0x240] =	vst v1  }
0x73: {  	[tilespmem:$0x3C0] =	vst v2  }
0x74: {  	[tilespmem:v2+s21+$0x0] =	vst.idx.add.f32.msk $0xffff, v0  }
0x75: {  	[tilespmem:s31], [sflag:$0x5] =	stream.indirect.gather [hbm4b:s1+s25], $0x80, s30, s25, $0xb8;
	[tilespmem:$0x1E480] =	vst v63  }
0x76: {  	s16 =	rddreg [dreg:$0xa]  }
0x77: {  	[tilespmem:s22], [sflag:$0x2] =	stream.linear.gather [hbm4b:s16+s4], $0x50, $0x38;
	[tilespmem:$0x1E480] =	vst v63  }
0x78: {  	_ =	swait.ge [sflag:s0], $0x50  }
0x79: {  	[sflag:s0] =	ssyncset.done $0x0  }
0x7a: {  	[sflag:s0] =	ssyncadd.s32 $0xFFFFFFB0  }
0x7b: {  	v1 =	vld [tilespmem:$0x100];
	_ =	sdelay $0x4  }
0x7c: {  	v2 =	vand.u32 $0x3FFF, v1;
	_ =	sdelay $0x1  }
0x7d: {  	v1 =	vshrl.u32 v1, $0xE  }
0x7e: {  	[tilespmem:$0x280] =	vst v1  }
0x7f: {  	[tilespmem:$0x400] =	vst v2  }
0x80: {  	[tilespmem:v2+s21+$0x0] =	vst.idx.add.f32.msk $0xffff, v0  }
0x81: {  	v1 =	vld [tilespmem:$0x110];
	_ =	sdelay $0x4  }
0x82: {  	v2 =	vand.u32 $0x3FFF, v1;
	_ =	sdelay $0x1  }
0x83: {  	v1 =	vshrl.u32 v1, $0xE  }
0x84: {  	[tilespmem:$0x290] =	vst v1  }
0x85: {  	[tilespmem:$0x410] =	vst v2  }
0x86: {  	[tilespmem:v2+s21+$0x0] =	vst.idx.add.f32.msk $0xffff, v0  }
0x87: {  	v1 =	vld [tilespmem:$0x120];
	_ =	sdelay $0x4  }
0x88: {  	v2 =	vand.u32 $0x3FFF, v1;
	_ =	sdelay $0x1  }
0x89: {  	v1 =	vshrl.u32 v1, $0xE  }
0x8a: {  	[tilespmem:$0x2A0] =	vst v1  }
0x8b: {  	[tilespmem:$0x420] =	vst v2  }
0x8c: {  	[tilespmem:v2+s21+$0x0] =	vst.idx.add.f32.msk $0xffff, v0  }
0x8d: {  	v1 =	vld [tilespmem:$0x130];
	_ =	sdelay $0x4  }
0x8e: {  	v2 =	vand.u32 $0x3FFF, v1;
	_ =	sdelay $0x1  }
0x8f: {  	v1 =	vshrl.u32 v1, $0xE  }
0x90: {  	[tilespmem:$0x2B0] =	vst v1  }
0x91: {  	[tilespmem:$0x430] =	vst v2  }
0x92: {  	[tilespmem:v2+s21+$0x0] =	vst.idx.add.f32.msk $0xffff, v0  }
0x93: {  	v1 =	vld [tilespmem:$0x140];
	_ =	sdelay $0x4  }
0x94: {  	v2 =	vand.u32 $0x3FFF, v1;
	_ =	sdelay $0x1  }
0x95: {  	v1 =	vshrl.u32 v1, $0xE  }
0x96: {  	[tilespmem:$0x2C0] =	vst v1  }
0x97: {  	[tilespmem:$0x440] =	vst v2  }
0x98: {  	[tilespmem:v2+s21+$0x0] =	vst.idx.add.f32.msk $0xffff, v0  }
0x99: {  	[tilespmem:s5], [sflag:$0x6] =	stream.indirect.gather [hbm4b:s1+s25], $0x80, s3, s25, $0xb8;
	[tilespmem:$0x1E480] =	vst v63  }
0x9a: {  	s15 =	simm.s32 $0x0;
	s16 =	rddreg [dreg:$0xb]  }
0x9b: {  	[tilespmem:s23], [sflag:$0x3] =	stream.linear.gather [hbm4b:s16+s4], $0x50, $0x38;
	[tilespmem:$0x1E480] =	vst v63  }
.LBB2_2:
0x9c: {  	_ =	swait.ge [sflag:s6], $0x2800  }
0x9d: {  	[sflag:s6] =	ssyncset.done $0x0  }
0x9e: {  	[sflag:s6] =	ssyncadd.s32 $0xFFFFD800  }
0x9f: {  	[spmem:s2] =	stream.indirect.scatter.add.f32 [tilespmem:s28], [sflag:$0x7], $0x80, s9, s25, $0xb8;
	[tilespmem:$0x1E480] =	vst v63  }
0xa0: {  	_ =	swait.ge [sflag:s20], $0x2800  }
0xa1: {  	[sflag:s20] =	ssyncset.done $0x0  }
0xa2: {  	[sflag:s20] =	ssyncadd.s32 $0xFFFFD800  }
0xa3: {  	_ =	swait.ge [sflag:s24], $0x50  }
0xa4: {  	[sflag:s24] =	ssyncset.done $0x0  }
0xa5: {  	[sflag:s24] =	ssyncadd.s32 $0xFFFFFFB0  }
0xa6: {  	v1 =	vld [tilespmem:$0x0];
	_ =	sdelay $0x4  }
0xa7: {  	v2 =	vand.u32 $0x3FFF, v1;
	_ =	sdelay $0x1  }
0xa8: {  	v1 =	vshrl.u32 v1, $0xE  }
0xa9: {  	[tilespmem:$0x180] =	vst v1  }
0xaa: {  	[tilespmem:$0x300] =	vst v2  }
0xab: {  	[tilespmem:v2+s21+$0x0] =	vst.idx.add.f32.msk $0xffff, v0  }
0xac: {  	v1 =	vld [tilespmem:$0x10];
	_ =	sdelay $0x4  }
0xad: {  	v2 =	vand.u32 $0x3FFF, v1;
	_ =	sdelay $0x1  }
0xae: {  	v1 =	vshrl.u32 v1, $0xE  }
0xaf: {  	[tilespmem:$0x190] =	vst v1  }
0xb0: {  	[tilespmem:$0x310] =	vst v2  }
0xb1: {  	[tilespmem:v2+s21+$0x0] =	vst.idx.add.f32.msk $0xffff, v0  }
0xb2: {  	v1 =	vld [tilespmem:$0x20];
	_ =	sdelay $0x4  }
0xb3: {  	v2 =	vand.u32 $0x3FFF, v1;
	_ =	sdelay $0x1  }
0xb4: {  	v1 =	vshrl.u32 v1, $0xE  }
0xb5: {  	[tilespmem:$0x1A0] =	vst v1  }
0xb6: {  	[tilespmem:$0x320] =	vst v2  }
0xb7: {  	[tilespmem:v2+s21+$0x0] =	vst.idx.add.f32.msk $0xffff, v0  }
0xb8: {  	v1 =	vld [tilespmem:$0x30];
	_ =	sdelay $0x4  }
0xb9: {  	v2 =	vand.u32 $0x3FFF, v1;
	_ =	sdelay $0x1  }
0xba: {  	v1 =	vshrl.u32 v1, $0xE  }
0xbb: {  	[tilespmem:$0x1B0] =	vst v1  }
0xbc: {  	[tilespmem:$0x330] =	vst v2  }
0xbd: {  	[tilespmem:v2+s21+$0x0] =	vst.idx.add.f32.msk $0xffff, v0  }
0xbe: {  	v1 =	vld [tilespmem:$0x40];
	_ =	sdelay $0x4  }
0xbf: {  	v2 =	vand.u32 $0x3FFF, v1;
	_ =	sdelay $0x1  }
0xc0: {  	v1 =	vshrl.u32 v1, $0xE  }
0xc1: {  	[tilespmem:$0x1C0] =	vst v1  }
0xc2: {  	[tilespmem:$0x340] =	vst v2  }
0xc3: {  	[tilespmem:v2+s21+$0x0] =	vst.idx.add.f32.msk $0xffff, v0  }
0xc4: {  	[tilespmem:s28], [sflag:$0x4] =	stream.indirect.gather [hbm4b:s1+s25], $0x80, s26, s25, $0xb8;
	[tilespmem:$0x1E480] =	vst v63  }
0xc5: {  	s16 =	sadd.s32 s15, s18  }
0xc6: {  	[tilespmem:s4], [sflag:$0x1] =	stream.linear.gather [hbm4b:s16+s4], $0x50, $0x38;
	[tilespmem:$0x1E480] =	vst v63  }
0xc7: {  	_ =	swait.ge [sflag:s10], $0x2800  }
0xc8: {  	[sflag:s10] =	ssyncset.done $0x0  }
0xc9: {  	[sflag:s10] =	ssyncadd.s32 $0xFFFFD800  }
0xca: {  	[spmem:s2] =	stream.indirect.scatter.add.f32 [tilespmem:s31], [sflag:$0x7], $0x80, s11, s25, $0xb8;
	[tilespmem:$0x1E480] =	vst v63  }
0xcb: {  	_ =	swait.ge [sflag:s20], $0x2800  }
0xcc: {  	[sflag:s20] =	ssyncset.done $0x0  }
0xcd: {  	[sflag:s20] =	ssyncadd.s32 $0xFFFFD800  }
0xce: {  	_ =	swait.ge [sflag:s29], $0x50  }
0xcf: {  	[sflag:s29] =	ssyncset.done $0x0  }
0xd0: {  	[sflag:s29] =	ssyncadd.s32 $0xFFFFFFB0  }
0xd1: {  	v1 =	vld [tilespmem:$0x80];
	_ =	sdelay $0x4  }
0xd2: {  	v2 =	vand.u32 $0x3FFF, v1;
	_ =	sdelay $0x1  }
0xd3: {  	v1 =	vshrl.u32 v1, $0xE  }
0xd4: {  	[tilespmem:$0x200] =	vst v1  }
0xd5: {  	[tilespmem:$0x380] =	vst v2  }
0xd6: {  	[tilespmem:v2+s21+$0x0] =	vst.idx.add.f32.msk $0xffff, v0  }
0xd7: {  	v1 =	vld [tilespmem:$0x90];
	_ =	sdelay $0x4  }
0xd8: {  	v2 =	vand.u32 $0x3FFF, v1;
	_ =	sdelay $0x1  }
0xd9: {  	v1 =	vshrl.u32 v1, $0xE  }
0xda: {  	[tilespmem:$0x210] =	vst v1  }
0xdb: {  	[tilespmem:$0x390] =	vst v2  }
0xdc: {  	[tilespmem:v2+s21+$0x0] =	vst.idx.add.f32.msk $0xffff, v0  }
0xdd: {  	v1 =	vld [tilespmem:$0xA0];
	_ =	sdelay $0x4  }
0xde: {  	v2 =	vand.u32 $0x3FFF, v1;
	_ =	sdelay $0x1  }
0xdf: {  	v1 =	vshrl.u32 v1, $0xE  }
0xe0: {  	[tilespmem:$0x220] =	vst v1  }
0xe1: {  	[tilespmem:$0x3A0] =	vst v2  }
0xe2: {  	[tilespmem:v2+s21+$0x0] =	vst.idx.add.f32.msk $0xffff, v0  }
0xe3: {  	v1 =	vld [tilespmem:$0xB0];
	_ =	sdelay $0x4  }
0xe4: {  	v2 =	vand.u32 $0x3FFF, v1;
	_ =	sdelay $0x1  }
0xe5: {  	v1 =	vshrl.u32 v1, $0xE  }
0xe6: {  	[tilespmem:$0x230] =	vst v1  }
0xe7: {  	[tilespmem:$0x3B0] =	vst v2  }
0xe8: {  	[tilespmem:v2+s21+$0x0] =	vst.idx.add.f32.msk $0xffff, v0  }
0xe9: {  	v1 =	vld [tilespmem:$0xC0];
	_ =	sdelay $0x4  }
0xea: {  	v2 =	vand.u32 $0x3FFF, v1;
	_ =	sdelay $0x1  }
0xeb: {  	v1 =	vshrl.u32 v1, $0xE  }
0xec: {  	[tilespmem:$0x240] =	vst v1  }
0xed: {  	[tilespmem:$0x3C0] =	vst v2  }
0xee: {  	[tilespmem:v2+s21+$0x0] =	vst.idx.add.f32.msk $0xffff, v0  }
0xef: {  	[tilespmem:s31], [sflag:$0x5] =	stream.indirect.gather [hbm4b:s1+s25], $0x80, s30, s25, $0xb8;
	[tilespmem:$0x1E480] =	vst v63  }
0xf0: {  	s16 =	sadd.s32 s15, s17  }
0xf1: {  	[tilespmem:s22], [sflag:$0x2] =	stream.linear.gather [hbm4b:s16+s4], $0x50, $0x38;
	[tilespmem:$0x1E480] =	vst v63  }
0xf2: {  	_ =	swait.ge [sflag:s12], $0x2800  }
0xf3: {  	[sflag:s12] =	ssyncset.done $0x0  }
0xf4: {  	[sflag:s12] =	ssyncadd.s32 $0xFFFFD800  }
0xf5: {  	[spmem:s2] =	stream.indirect.scatter.add.f32 [tilespmem:s5], [sflag:$0x7], $0x80, s13, s25, $0xb8;
	[tilespmem:$0x1E480] =	vst v63  }
0xf6: {  	_ =	swait.ge [sflag:s20], $0x2800  }
0xf7: {  	[sflag:s20] =	ssyncset.done $0x0  }
0xf8: {  	[sflag:s20] =	ssyncadd.s32 $0xFFFFD800  }
0xf9: {  	_ =	swait.ge [sflag:s0], $0x50  }
0xfa: {  	[sflag:s0] =	ssyncset.done $0x0  }
0xfb: {  	[sflag:s0] =	ssyncadd.s32 $0xFFFFFFB0  }
0xfc: {  	v1 =	vld [tilespmem:$0x100];
	_ =	sdelay $0x4  }
0xfd: {  	v2 =	vand.u32 $0x3FFF, v1;
	_ =	sdelay $0x1  }
0xfe: {  	v1 =	vshrl.u32 v1, $0xE  }
0xff: {  	[tilespmem:$0x280] =	vst v1  }
0x100: {  	[tilespmem:$0x400] =	vst v2  }
0x101: {  	[tilespmem:v2+s21+$0x0] =	vst.idx.add.f32.msk $0xffff, v0  }
0x102: {  	v1 =	vld [tilespmem:$0x110];
	_ =	sdelay $0x4  }
0x103: {  	v2 =	vand.u32 $0x3FFF, v1;
	_ =	sdelay $0x1  }
0x104: {  	v1 =	vshrl.u32 v1, $0xE  }
0x105: {  	[tilespmem:$0x290] =	vst v1  }
0x106: {  	[tilespmem:$0x410] =	vst v2  }
0x107: {  	[tilespmem:v2+s21+$0x0] =	vst.idx.add.f32.msk $0xffff, v0  }
0x108: {  	v1 =	vld [tilespmem:$0x120];
	_ =	sdelay $0x4  }
0x109: {  	v2 =	vand.u32 $0x3FFF, v1;
	_ =	sdelay $0x1  }
0x10a: {  	v1 =	vshrl.u32 v1, $0xE  }
0x10b: {  	[tilespmem:$0x2A0] =	vst v1  }
0x10c: {  	[tilespmem:$0x420] =	vst v2  }
0x10d: {  	[tilespmem:v2+s21+$0x0] =	vst.idx.add.f32.msk $0xffff, v0  }
0x10e: {  	v1 =	vld [tilespmem:$0x130];
	_ =	sdelay $0x4  }
0x10f: {  	v2 =	vand.u32 $0x3FFF, v1;
	_ =	sdelay $0x1  }
0x110: {  	v1 =	vshrl.u32 v1, $0xE  }
0x111: {  	[tilespmem:$0x2B0] =	vst v1  }
0x112: {  	[tilespmem:$0x430] =	vst v2  }
0x113: {  	[tilespmem:v2+s21+$0x0] =	vst.idx.add.f32.msk $0xffff, v0  }
0x114: {  	v1 =	vld [tilespmem:$0x140];
	_ =	sdelay $0x4  }
0x115: {  	v2 =	vand.u32 $0x3FFF, v1;
	_ =	sdelay $0x1  }
0x116: {  	v1 =	vshrl.u32 v1, $0xE  }
0x117: {  	p0 =	sne.s32 s15, $0x4B0;
	[tilespmem:$0x2C0] =	vst v1  }
.Ltmp0:
0x118: {  	[tilespmem:$0x440] =	vst v2;
	(pc) =	sbr.rel @p0 .LBB2_2-.Ltmp0, $4  }
0x119: {  	s16 =	rddreg [dreg:$0x4];
	[tilespmem:v2+s21+$0x0] =	vst.idx.add.f32.msk $0xffff, v0  }
0x11a: {  	[tilespmem:s5], [sflag:$0x6] =	stream.indirect.gather [hbm4b:s1+s25], $0x80, s3, s25, $0xb8;
	[tilespmem:$0x1E480] =	vst v63  }
0x11b: {  	s16 =	sadd.s32 s15, s16;
	s15 =	sadd.s32 $0x1E, s15  }
0x11c: {  	[tilespmem:s23], [sflag:$0x3] =	stream.linear.gather [hbm4b:s16+s4], $0x50, $0x38;
	[tilespmem:$0x1E480] =	vst v63  }
0x11d: {  	_ =	swait.ge [sflag:s6], $0x2800  }
0x11e: {  	[sflag:s6] =	ssyncset.done $0x0  }
0x11f: {  	[sflag:s6] =	ssyncadd.s32 $0xFFFFD800  }
0x120: {  	[spmem:s2] =	stream.indirect.scatter.add.f32 [tilespmem:s28], [sflag:$0x7], $0x80, s9, s25, $0xb8;
	[tilespmem:$0x1E480] =	vst v63  }
0x121: {  	_ =	swait.ge [sflag:s20], $0x2800  }
0x122: {  	[sflag:s20] =	ssyncset.done $0x0  }
0x123: {  	[sflag:s20] =	ssyncadd.s32 $0xFFFFD800  }
0x124: {  	_ =	swait.ge [sflag:s24], $0x50  }
0x125: {  	[sflag:s24] =	ssyncset.done $0x0  }
0x126: {  	[sflag:s24] =	ssyncadd.s32 $0xFFFFFFB0  }
0x127: {  	_ =	swait.ge [sflag:s10], $0x2800  }
0x128: {  	[sflag:s10] =	ssyncset.done $0x0  }
0x129: {  	[sflag:s10] =	ssyncadd.s32 $0xFFFFD800  }
0x12a: {  	[spmem:s2] =	stream.indirect.scatter.add.f32 [tilespmem:s31], [sflag:$0x7], $0x80, s11, s25, $0xb8;
	[tilespmem:$0x1E480] =	vst v63  }
0x12b: {  	_ =	swait.ge [sflag:s20], $0x2800  }
0x12c: {  	[sflag:s20] =	ssyncset.done $0x0  }
0x12d: {  	[sflag:s20] =	ssyncadd.s32 $0xFFFFD800  }
0x12e: {  	_ =	swait.ge [sflag:s29], $0x50  }
0x12f: {  	[sflag:s29] =	ssyncset.done $0x0  }
0x130: {  	[sflag:s29] =	ssyncadd.s32 $0xFFFFFFB0  }
0x131: {  	_ =	swait.ge [sflag:s12], $0x2800  }
0x132: {  	[sflag:s12] =	ssyncset.done $0x0  }
0x133: {  	[sflag:s12] =	ssyncadd.s32 $0xFFFFD800  }
0x134: {  	[spmem:s2] =	stream.indirect.scatter.add.f32 [tilespmem:s5], [sflag:$0x7], $0x80, s13, s25, $0xb8;
	[tilespmem:$0x1E480] =	vst v63  }
0x135: {  	_ =	swait.ge [sflag:s20], $0x2800  }
0x136: {  	[sflag:s20] =	ssyncset.done $0x0  }
0x137: {  	[sflag:s20] =	ssyncadd.s32 $0xFFFFD800  }
0x138: {  	_ =	swait.ge [sflag:s0], $0x50  }
0x139: {  	[sflag:s0] =	ssyncset.done $0x0  }
0x13a: {  	[sflag:s0] =	ssyncadd.s32 $0xFFFFFFB0  }
0x13b: {  	[bflag:$0x0] =	sbarrier.arrive $0xFFFF  }
0x13c: {  	s15 =	rddreg [dreg:$0xc]  }
0x13d: {  	[hbm:s15], [sflag:s8] =	dma.local [spmem:s19], $0x2800  }
0x13e: {  	_ =	swait.ge [sflag:s20], $0x2800  }
0x13f: {  	[sflag:s20] =	ssyncset.done $0x0  }
0x140: {  	s16 =	rddreg [dreg:$0xd];
	[sflag:s20] =	ssyncadd.s32 $0xFFFFD800  }
0x141: {  	[hbm4b:s16+s22] =	stream.strided.scatter [tilespmem:s21], [sflag:$0x7], $0x2800, s13, s22, $0x38;
	[tilespmem:$0x1E480] =	vst v63  }
0x142: {  	_ =	swait.ge [sflag:s20], $0x2800  }
0x143: {  	s14 =	sadd.s32 $0x1, s14;
	s16 =	rddreg [dreg:$0xe]  }
0x144: {  	p0 =	sne.s32 s14, s16  }
.Ltmp1:
0x145: {  	_ = 	snop;
	(pc) =	sbr.rel @p0 .LBB2_1-.Ltmp1, $3  }
0x146: {  	_ =	sdelay $0x1  }
0x147: {  	[sflag:s20] =	ssyncset.done $0x0  }
0x148: {  	[sflag:s20] =	ssyncadd.s32 $0xFFFFD800  }
0x149: {  	_ =	sfence.sel $0x180000  }
0x14a: {  	[bflag:$0x0] =	sbarrier.arrive $0xFFFF  }
0x14b: {  	_ =	strace $0x90000047  }
0x14c: {  	s0 =	stileid.u32;
	[bflag:$0x2] =	sbarrier.arrive $0xFFFF  }
0x14d: {  	p0 =	sne.s32 s0, $0x0;
	s0 =	rddreg [dreg:$0x3]  }
0x14e: {  	s0 =	sadd.s32 @!p0 $0x100000, s0  }
0x14f: {  	[sflag:s0] =	ssyncadd.tile.s32 @!p0 $0x1;
	_ =	shalt  }
.Lfunc_end2:
_tile_overlayer_lowered:
.L_overlay_start_2:
0x150: {  	(tag) =	ssettag $0x2  }
0x151: {  	s0 =	rddreg [dreg:$0x0];
	s2 =	stileid.u32  }
0x152: {  	s1 =	rddreg [dreg:$0x1];
	p0 =	sne.s32 s2, $0x0  }
0x153: {  	s3 =	rddreg [dreg:$0x2];
	[bflag:$0x3] =	sbarrier.arrive $0xFFFF;
	s2 =	simm.s32 @!p0 $0x1C07  }
0x154: {  	[timem:s3], [sflag:s2] =	dma.local @!p0 [hbm:s0], s1  }
0x155: {  	s0 =	simm.s32 @!p0 $0x7  }
0x156: {  	_ =	swait.ge @!p0 [sflag:s0], s1  }
0x157: {  	s1 =	ssub.s32 @!p0 $0x0, s1;
	[sflag:s0] =	ssyncset.done @!p0 $0x0  }
0x158: {  	[sflag:s0] =	ssyncadd.s32 @!p0 s1  }
0x159: {  	[bflag:$0x3] =	sbarrier.arrive $0xFFFF  }
0x15a: {  	_ =	shalt  }

</sc_bundles>
